<compile_context>
chip_gen: v7x
topology: tpu7x:2x2x1
jax: 0.10.2.dev20260603
libtpu: 0.0.44.dev20260713+nightly
codegen_flags: <defaults>
</compile_context>

<pallas_src>
import jax
import jax.numpy as jnp
from jax import lax
from jax.experimental import pallas as pl
from jax.experimental.pallas import tpu as pltpu
from jax.experimental.pallas import tpu_sc as plsc

NN = 10000
NPAD = 10048
SLAB = NPAD // 16
EE = 320000
NE = EE + NN
EP = 331776
D1 = 128
A1 = 144
D2 = 64
A2 = 80
CH = 128
L1_CHUNKS = 162
L2_CHUNKS = 81
RB = 1000



def _tc_a_body(x_ref, w_ref, ats_ref, atd_ref, h_ref, av_ref):
    h = jnp.dot(x_ref[...], w_ref[...], preferred_element_type=jnp.float32)
    h0 = h[:, :D1]
    h1 = h[:, D1:]
    col = lax.broadcasted_iota(jnp.int32, (RB, A1 - D1), 1)
    tail = jnp.where(col == 0, 1.0, 0.0)
    h_ref[0] = jnp.concatenate([h0, tail], axis=1)
    h_ref[1] = jnp.concatenate([h1, tail], axis=1)
    as0 = jnp.sum(h0 * ats_ref[0][None, :], axis=1)
    as1 = jnp.sum(h1 * ats_ref[1][None, :], axis=1)
    ad0 = jnp.sum(h0 * atd_ref[0][None, :], axis=1)
    ad1 = jnp.sum(h1 * atd_ref[1][None, :], axis=1)
    av_ref[...] = jnp.stack([as0, as1, ad0, ad1], axis=1)


def _tc_a(x, W1, att_src1, att_dst1):
    return pl.pallas_call(
        _tc_a_body,
        grid=(NN // RB,),
        in_specs=[
            pl.BlockSpec((RB, D1), lambda i: (i, 0)),
            pl.BlockSpec((D1, 2 * D1), lambda i: (0, 0)),
            pl.BlockSpec((2, D1), lambda i: (0, 0)),
            pl.BlockSpec((2, D1), lambda i: (0, 0)),
        ],
        out_specs=[
            pl.BlockSpec((2, RB, A1), lambda i: (0, i, 0)),
            pl.BlockSpec((RB, 4), lambda i: (i, 0)),
        ],
        out_shape=[
            jax.ShapeDtypeStruct((2, NN, A1), jnp.float32),
            jax.ShapeDtypeStruct((NN, 4), jnp.float32),
        ],
    )(x, W1, att_src1, att_dst1)



def _sc_edge_body(aw, n_chunks, split_edges,
                  h_hbm, srcoff_hbm, dst_hbm, asrc_hbm, adst_hbm,
                  acc_hbm,
                  asrc_v, adst_v, src_v, dst_v, ex_v, rows_v,
                  acc_sh, sem):
    c = lax.axis_index("c")
    s = lax.axis_index("s")
    cN = c * NN
    nv = aw // 16
    if split_edges:
        pltpu.sync_copy(asrc_hbm, asrc_v)
        pltpu.sync_copy(adst_hbm, adst_v)
    else:
        pltpu.sync_copy(asrc_hbm.at[pl.ds(cN, NN)], asrc_v.at[pl.ds(0, NN)])
        pltpu.sync_copy(adst_hbm.at[pl.ds(cN, NN)], adst_v.at[pl.ds(0, NN)])
    zero16 = jnp.zeros((16,), jnp.float32)

    def _zrow(r, carry):
        for k in range(nv):
            rows_v[r, pl.ds(k * 16, 16)] = zero16
        return carry

    lax.fori_loop(0, CH, _zrow, 0)
    for j in range(SLAB // CH):
        pltpu.sync_copy(rows_v, acc_sh.at[pl.ds(s * SLAB + j * CH, CH)])
    rem = SLAB % CH
    if rem:
        pltpu.sync_copy(rows_v.at[pl.ds(0, rem)],
                        acc_sh.at[pl.ds(s * SLAB + (SLAB // CH) * CH, rem)])
    plsc.subcore_barrier()

    if split_edges:
        tile_base = (c * 16 + s) * (n_chunks * CH)
        idx_base = tile_base
    else:
        tile_base = s * (n_chunks * CH)
        idx_base = c * EP + tile_base

    def _chunk(g, carry):
        base = tile_base + g * CH
        pltpu.sync_copy(srcoff_hbm.at[pl.ds(idx_base + g * CH, CH)], src_v)
        pltpu.sync_copy(dst_hbm.at[pl.ds(base, CH)], dst_v)
        pltpu.async_copy(h_hbm.at[src_v], rows_v, sem).wait()
        for i in range(CH // 16):
            si = src_v[pl.ds(i * 16, 16)]
            if not split_edges:
                si = si - cN
            di = dst_v[pl.ds(i * 16, 16)]
            av = plsc.load_gather(asrc_v, [si])
            bv = plsc.load_gather(adst_v, [di])
            e = av + bv
            e = jnp.where(e >= 0.0, e, 0.2 * e)
            exv = jnp.exp(e)
            eid = base + i * 16 + lax.iota(jnp.int32, 16)
            exv = jnp.where(eid < NE, exv, 0.0)
            ex_v[pl.ds(i * 16, 16)] = exv

        def _srow(r, cy):
            w = plsc.load_gather(ex_v, [jnp.full((16,), r, jnp.int32)])
            for k in range(nv):
                rows_v[r, pl.ds(k * 16, 16)] = rows_v[r, pl.ds(k * 16, 16)] * w
            return cy

        lax.fori_loop(0, CH, _srow, 0)
        pltpu.sync_copy(rows_v, acc_sh.at[dst_v], add=True)
        return carry

    lax.fori_loop(0, n_chunks, _chunk, 0)
    plsc.subcore_barrier()
    pltpu.sync_copy(acc_sh.at[pl.ds(s * SLAB, SLAB)],
                    acc_hbm.at[pl.ds(c * NPAD + s * SLAB, SLAB)])


def _sc_edge_pass(h_aug, srcoff, dst, asrc, adst, aw, n_chunks, split_edges):
    def body(*refs):
        _sc_edge_body(aw, n_chunks, split_edges, *refs)

    f = pl.kernel(
        body,
        out_type=jax.ShapeDtypeStruct((2 * NPAD, aw), jnp.float32),
        mesh=plsc.VectorSubcoreMesh(core_axis_name="c", subcore_axis_name="s"),
        compiler_params=pltpu.CompilerParams(
            needs_layout_passes=False, use_tc_tiling_on_sc=False),
        scratch_types=[
            pltpu.VMEM((NPAD,), jnp.float32),
            pltpu.VMEM((NPAD,), jnp.float32),
            pltpu.VMEM((CH,), jnp.int32),
            pltpu.VMEM((CH,), jnp.int32),
            pltpu.VMEM((CH,), jnp.float32),
            pltpu.VMEM((CH, aw), jnp.float32),
            pltpu.VMEM_SHARED((NPAD, aw), jnp.float32),
            pltpu.SemaphoreType.DMA,
        ],
    )
    return f(h_aug, srcoff, dst, asrc, adst)



def _tc_b_body(acc_ref, b1_ref, w2_ref, ats_ref, atd_ref, h2_ref, av2_ref):
    a0 = acc_ref[0]
    a1 = acc_ref[1]
    d0 = a0[:, D1:D1 + 1] + 1e-16
    d1 = a1[:, D1:D1 + 1] + 1e-16
    h0 = jnp.maximum(a0[:, :D1] / d0 + b1_ref[:D1][None, :], 0.0)
    h1 = jnp.maximum(a1[:, :D1] / d1 + b1_ref[D1:][None, :], 0.0)
    hfull = jnp.concatenate([h0, h1], axis=1)
    h2 = jnp.dot(hfull, w2_ref[...], preferred_element_type=jnp.float32)
    col = lax.broadcasted_iota(jnp.int32, (1256, A2 - D2), 1)
    tail = jnp.where(col == 0, 1.0, 0.0)
    h2_ref[...] = jnp.concatenate([h2, tail], axis=1)
    as2 = jnp.sum(h2 * ats_ref[0][None, :], axis=1)
    ad2 = jnp.sum(h2 * atd_ref[0][None, :], axis=1)
    av2_ref[...] = jnp.stack([as2, ad2], axis=1)


def _tc_b(acc1, b1, W2, att_src2, att_dst2):
    return pl.pallas_call(
        _tc_b_body,
        grid=(NPAD // 1256,),
        in_specs=[
            pl.BlockSpec((2, 1256, A1), lambda i: (0, i, 0)),
            pl.BlockSpec((2 * D1,), lambda i: (0,)),
            pl.BlockSpec((2 * D1, D2), lambda i: (0, 0)),
            pl.BlockSpec((1, D2), lambda i: (0, 0)),
            pl.BlockSpec((1, D2), lambda i: (0, 0)),
        ],
        out_specs=[
            pl.BlockSpec((1256, A2), lambda i: (i, 0)),
            pl.BlockSpec((1256, 2), lambda i: (i, 0)),
        ],
        out_shape=[
            jax.ShapeDtypeStruct((NPAD, A2), jnp.float32),
            jax.ShapeDtypeStruct((NPAD, 2), jnp.float32),
        ],
    )(acc1, b1, W2, att_src2, att_dst2)



def _tc_c_body(acc_ref, b2_ref, out_ref):
    ssum = acc_ref[0] + acc_ref[1]
    d = ssum[:, D2:D2 + 1] + 1e-16
    out_ref[...] = ssum[:, :D2] / d + b2_ref[...][None, :]


def _tc_c(acc2, b2):
    return pl.pallas_call(
        _tc_c_body,
        grid=(NN // RB,),
        in_specs=[
            pl.BlockSpec((2, RB, A2), lambda i: (0, i, 0)),
            pl.BlockSpec((D2,), lambda i: (0,)),
        ],
        out_specs=pl.BlockSpec((RB, D2), lambda i: (i, 0)),
        out_shape=jax.ShapeDtypeStruct((NN, D2), jnp.float32),
    )(acc2, b2)



def kernel(x, edge_index, W1, att_src1, att_dst1, b1, W2, att_src2, att_dst2, b2):
    loop = jnp.arange(NN, dtype=jnp.int32)
    src = jnp.concatenate([edge_index[0], loop,
                           jnp.zeros((EP - NE,), jnp.int32)])
    dst = jnp.concatenate([edge_index[1], loop,
                           jnp.zeros((EP - NE,), jnp.int32)])
    srcoff = jnp.concatenate([src, src + NN])

    hcat, av = _tc_a(x, W1, att_src1, att_dst1)
    hcat2 = hcat.reshape(2 * NN, A1)
    asrc_cat = jnp.concatenate([av[:, 0], av[:, 1]])
    adst_cat = jnp.concatenate([av[:, 2], av[:, 3]])

    acc1 = _sc_edge_pass(hcat2, srcoff, dst, asrc_cat, adst_cat,
                         A1, L1_CHUNKS, split_edges=False)
    h2, av2 = _tc_b(acc1.reshape(2, NPAD, A1), b1, W2, att_src2, att_dst2)
    acc2 = _sc_edge_pass(h2, src, dst, av2[:, 0], av2[:, 1],
                         A2, L2_CHUNKS, split_edges=True)
    return _tc_c(acc2.reshape(2, NPAD, A2), b2)

# --- scband reference (transcript-rebuilt; emitter-appended) ---
"""Pipeline reference for scband-gat-23227183137264 (READ-ONLY COPY).

The authoritative reference and input builder live on the scoring server;
editing this copy changes nothing except your own understanding.
"""

import jax, jax.numpy as jnp
import numpy as np

N = 10000
E = 320000
D_IN = 128
HID = 128
HEADS = 2
NUM_CLASSES = 64


def setup_inputs(seed: int = 0) -> dict:
    key = jax.random.key(seed)
    ks = jax.random.split(key, 12)
    x = jax.random.normal(ks[0], (N, D_IN), dtype=jnp.float32)
    edge_index = jax.random.randint(ks[1], (2, E), 0, N, dtype=jnp.int32)
    # GATConv layer 1 params (in=D_IN, out=HID, heads=HEADS, concat=True)
    W1 = jax.random.normal(ks[2], (D_IN, HEADS * HID), dtype=jnp.float32) * (1.0 / np.sqrt(D_IN))
    att_src1 = jax.random.normal(ks[3], (HEADS, HID), dtype=jnp.float32) * (1.0 / np.sqrt(HID))
    att_dst1 = jax.random.normal(ks[4], (HEADS, HID), dtype=jnp.float32) * (1.0 / np.sqrt(HID))
    b1 = jnp.zeros((HEADS * HID,), dtype=jnp.float32)
    # GATConv layer 2 params (in=HEADS*HID, out=NUM_CLASSES, heads=1)
    W2 = jax.random.normal(ks[5], (HEADS * HID, NUM_CLASSES), dtype=jnp.float32) * (1.0 / np.sqrt(HEADS * HID))
    att_src2 = jax.random.normal(ks[6], (1, NUM_CLASSES), dtype=jnp.float32) * (1.0 / np.sqrt(NUM_CLASSES))
    att_dst2 = jax.random.normal(ks[7], (1, NUM_CLASSES), dtype=jnp.float32) * (1.0 / np.sqrt(NUM_CLASSES))
    b2 = jnp.zeros((NUM_CLASSES,), dtype=jnp.float32)
    return {"x": x, "edge_index": edge_index, "W1": W1, "att_src1": att_src1,
            "att_dst1": att_dst1, "b1": b1, "W2": W2, "att_src2": att_src2,
            "att_dst2": att_dst2, "b2": b2}


def gat_conv(x, edge_index, W, att_src, att_dst, bias, heads, out_ch, num_nodes):
    src = edge_index[0]
    dst = edge_index[1]
    # PyG GATConv default: add self loops
    loop = jnp.arange(num_nodes, dtype=src.dtype)
    src = jnp.concatenate([src, loop])
    dst = jnp.concatenate([dst, loop])
    h = (x @ W).reshape(num_nodes, heads, out_ch)
    a_src = jnp.sum(h * att_src[None, :, :], axis=-1)  # [N, heads]
    a_dst = jnp.sum(h * att_dst[None, :, :], axis=-1)  # [N, heads]
    e = a_src[src] + a_dst[dst]                         # [E', heads]
    e = jax.nn.leaky_relu(e, negative_slope=0.2)
    # softmax over incoming edges per destination node
    m = jax.ops.segment_max(e, dst, num_segments=num_nodes)
    m = jnp.where(jnp.isfinite(m), m, 0.0)
    ex = jnp.exp(e - m[dst])
    denom = jax.ops.segment_sum(ex, dst, num_segments=num_nodes)
    alpha = ex / (denom[dst] + 1e-16)
    msg = h[src] * alpha[:, :, None]                    # [E', heads, out_ch]
    out = jax.ops.segment_sum(msg, dst, num_segments=num_nodes)
    return out.reshape(num_nodes, heads * out_ch) + bias


def reference(x, edge_index, W1, att_src1, att_dst1, b1, W2, att_src2, att_dst2, b2):
    h1 = jax.nn.relu(gat_conv(x, edge_index, W1, att_src1, att_dst1, b1, HEADS, HID, N))
    # dropout p=0.5 is identity in eval mode
    out = gat_conv(h1, edge_index, W2, att_src2, att_dst2, b2, 1, NUM_CLASSES, N)
    return out

if __name__ == "__main__":
    import jax
    _d = setup_inputs()
    print(jax.jit(kernel)(*tuple(_d.values())))

</pallas_src>

<mosaic_0001>
#map = affine_map<(d0, d1) -> (0, 0)>
#map1 = affine_map<(d0, d1) -> (0)>
module attributes {stable_mosaic.version = 14 : i64} {
  func.func @body(%arg0: i32, %arg1: i32, %arg2: memref<10048x80xf32, #tpu.memory_space<hbm>>, %arg3: memref<331776xi32, #tpu.memory_space<hbm>>, %arg4: memref<331776xi32, #tpu.memory_space<hbm>>, %arg5: memref<10048xf32, #tpu.memory_space<hbm>>, %arg6: memref<10048xf32, #tpu.memory_space<hbm>>, %arg7: memref<20096x80xf32, #tpu.memory_space<hbm>>, %arg8: memref<10048xf32, #tpu.memory_space<vmem>>, %arg9: memref<10048xf32, #tpu.memory_space<vmem>>, %arg10: memref<128xi32, #tpu.memory_space<vmem>>, %arg11: memref<128xi32, #tpu.memory_space<vmem>>, %arg12: memref<128xf32, #tpu.memory_space<vmem>>, %arg13: memref<128x80xf32, #tpu.memory_space<vmem>>, %arg14: memref<10048x80xf32, #tpu.memory_space<vmem_shared>>, %arg15: memref<!tpu.dma_semaphore, #tpu.memory_space<semaphore_mem>>) attributes {dimension_semantics = [#tpu.dimension_semantics<core_parallel>, #tpu.dimension_semantics<subcore_parallel>], iteration_bounds = array<i64: 2, 16>, scalar_prefetch = 0 : i64, scratch_operands = 8 : i64, tpu.core_type = #tpu.core_type<sc_vector_subcore>, window_params = [{transform_indices = #map}, {transform_indices = #map1}, {transform_indices = #map1}, {transform_indices = #map1}, {transform_indices = #map1}, {transform_indices = #map}]} {
    %mul3A = arith.constant 10000 : i32
    %mul3A_0 = arith.muli %arg0, %mul3A : i32
    "tpu.region"() ({
      %run_scoped3A = tpu.sem_alloc : memref<!tpu.dma_semaphore, #tpu.memory_space<semaphore_mem>>
      tpu.enqueue_dma source(%arg5 : memref<10048xf32, #tpu.memory_space<hbm>>) target(%arg8 : memref<10048xf32, #tpu.memory_space<vmem>>) target_semaphore(%run_scoped3A : memref<!tpu.dma_semaphore, #tpu.memory_space<semaphore_mem>>)
      tpu.wait_dma2 semaphore(%run_scoped3A : memref<!tpu.dma_semaphore, #tpu.memory_space<semaphore_mem>>) src(%arg5 : memref<10048xf32, #tpu.memory_space<hbm>>) dst(%arg8 : memref<10048xf32, #tpu.memory_space<vmem>>)
      tpu.yield
    }) : () -> ()
    "tpu.region"() ({
      %run_scoped3A = tpu.sem_alloc : memref<!tpu.dma_semaphore, #tpu.memory_space<semaphore_mem>>
      tpu.enqueue_dma source(%arg6 : memref<10048xf32, #tpu.memory_space<hbm>>) target(%arg9 : memref<10048xf32, #tpu.memory_space<vmem>>) target_semaphore(%run_scoped3A : memref<!tpu.dma_semaphore, #tpu.memory_space<semaphore_mem>>)
      tpu.wait_dma2 semaphore(%run_scoped3A : memref<!tpu.dma_semaphore, #tpu.memory_space<semaphore_mem>>) src(%arg6 : memref<10048xf32, #tpu.memory_space<hbm>>) dst(%arg9 : memref<10048xf32, #tpu.memory_space<vmem>>)
      tpu.yield
    }) : () -> ()
    %broadcast_in_dim3A = arith.constant 0.000000e+00 : f32
    %broadcast_in_dim3A_1 = vector.broadcast %broadcast_in_dim3A : f32 to vector<16xf32>
    %scan3A = arith.constant 0 : i32
    %scan3A_2 = arith.constant 0 : i32
    %scan3A_3 = arith.constant 128 : i32
    %scan3A_4 = arith.addi %scan3A_2, %scan3A_3 : i32
    %scan3A_5 = arith.constant 1 : i32
    scf.for %scan3A_45 = %scan3A_2 to %scan3A_4 step %scan3A_5  : i32 {
      %swap3A = arith.index_cast %scan3A_45 : i32 to index
      %swap3A_46 = arith.constant 0 : index
      %swap3A_47 = tpu.vector_load %arg13[%swap3A, %swap3A_46] {strides = array<i32>} : memref<128x80xf32, #tpu.memory_space<vmem>>, vector<16xf32>,
      tpu.vector_store %arg13[%swap3A, %swap3A_46], %broadcast_in_dim3A_1 {strides = array<i32>} : memref<128x80xf32, #tpu.memory_space<vmem>>, vector<16xf32>,
      %swap3A_48 = arith.index_cast %scan3A_45 : i32 to index
      %swap3A_49 = arith.constant 16 : index
      %swap3A_50 = tpu.vector_load %arg13[%swap3A_48, %swap3A_49] {strides = array<i32>} : memref<128x80xf32, #tpu.memory_space<vmem>>, vector<16xf32>,
      tpu.vector_store %arg13[%swap3A_48, %swap3A_49], %broadcast_in_dim3A_1 {strides = array<i32>} : memref<128x80xf32, #tpu.memory_space<vmem>>, vector<16xf32>,
      %swap3A_51 = arith.index_cast %scan3A_45 : i32 to index
      %swap3A_52 = arith.constant 32 : index
      %swap3A_53 = tpu.vector_load %arg13[%swap3A_51, %swap3A_52] {strides = array<i32>} : memref<128x80xf32, #tpu.memory_space<vmem>>, vector<16xf32>,
      tpu.vector_store %arg13[%swap3A_51, %swap3A_52], %broadcast_in_dim3A_1 {strides = array<i32>} : memref<128x80xf32, #tpu.memory_space<vmem>>, vector<16xf32>,
      %swap3A_54 = arith.index_cast %scan3A_45 : i32 to index
      %swap3A_55 = arith.constant 48 : index
      %swap3A_56 = tpu.vector_load %arg13[%swap3A_54, %swap3A_55] {strides = array<i32>} : memref<128x80xf32, #tpu.memory_space<vmem>>, vector<16xf32>,
      tpu.vector_store %arg13[%swap3A_54, %swap3A_55], %broadcast_in_dim3A_1 {strides = array<i32>} : memref<128x80xf32, #tpu.memory_space<vmem>>, vector<16xf32>,
      %swap3A_57 = arith.index_cast %scan3A_45 : i32 to index
      %swap3A_58 = arith.constant 64 : index
      %swap3A_59 = tpu.vector_load %arg13[%swap3A_57, %swap3A_58] {strides = array<i32>} : memref<128x80xf32, #tpu.memory_space<vmem>>, vector<16xf32>,
      tpu.vector_store %arg13[%swap3A_57, %swap3A_58], %broadcast_in_dim3A_1 {strides = array<i32>} : memref<128x80xf32, #tpu.memory_space<vmem>>, vector<16xf32>,
    }
    %scan3A_6 = arith.constant 128 : i32
    %mul3A_7 = arith.constant 628 : i32
    %mul3A_8 = arith.muli %arg1, %mul3A_7 : i32
    %add3A = arith.constant 0 : i32
    %add3A_9 = arith.addi %mul3A_8, %add3A : i32
    "tpu.region"() ({
      %run_scoped3A = tpu.sem_alloc : memref<!tpu.dma_semaphore, #tpu.memory_space<semaphore_mem>>
      %dma_start3A = arith.constant 0 : i32
      %dma_start3A_45 = tpu.memref_slice %arg14[%add3A_9, %dma_start3A] : memref<10048x80xf32, #tpu.memory_space<vmem_shared>> -> memref<128x80xf32, #tpu.memory_space<vmem_shared>>
      %dma_start3A_46 = arith.constant 0 : i32
      %dma_start3A_47 = tpu.memref_slice %arg14[%add3A_9, %dma_start3A_46] : memref<10048x80xf32, #tpu.memory_space<vmem_shared>> -> memref<128x80xf32, #tpu.memory_space<vmem_shared>>
      tpu.enqueue_dma source(%arg13 : memref<128x80xf32, #tpu.memory_space<vmem>>) target(%dma_start3A_47 : memref<128x80xf32, #tpu.memory_space<vmem_shared>>) target_semaphore(%run_scoped3A : memref<!tpu.dma_semaphore, #tpu.memory_space<semaphore_mem>>)
      %dma_wait3A = arith.constant 0 : i32
      %dma_wait3A_48 = tpu.memref_slice %arg14[%add3A_9, %dma_wait3A] : memref<10048x80xf32, #tpu.memory_space<vmem_shared>> -> memref<128x80xf32, #tpu.memory_space<vmem_shared>>
      %dma_wait3A_49 = arith.constant 0 : i32
      %dma_wait3A_50 = tpu.memref_slice %arg14[%add3A_9, %dma_wait3A_49] : memref<10048x80xf32, #tpu.memory_space<vmem_shared>> -> memref<128x80xf32, #tpu.memory_space<vmem_shared>>
      tpu.wait_dma2 semaphore(%run_scoped3A : memref<!tpu.dma_semaphore, #tpu.memory_space<semaphore_mem>>) src(%arg13 : memref<128x80xf32, #tpu.memory_space<vmem>>) dst(%dma_wait3A_50 : memref<128x80xf32, #tpu.memory_space<vmem_shared>>)
      tpu.yield
    }) : () -> ()
    %mul3A_10 = arith.constant 628 : i32
    %mul3A_11 = arith.muli %arg1, %mul3A_10 : i32
    %add3A_12 = arith.constant 128 : i32
    %add3A_13 = arith.addi %mul3A_11, %add3A_12 : i32
    "tpu.region"() ({
      %run_scoped3A = tpu.sem_alloc : memref<!tpu.dma_semaphore, #tpu.memory_space<semaphore_mem>>
      %dma_start3A = arith.constant 0 : i32
      %dma_start3A_45 = tpu.memref_slice %arg14[%add3A_13, %dma_start3A] : memref<10048x80xf32, #tpu.memory_space<vmem_shared>> -> memref<128x80xf32, #tpu.memory_space<vmem_shared>>
      %dma_start3A_46 = arith.constant 0 : i32
      %dma_start3A_47 = tpu.memref_slice %arg14[%add3A_13, %dma_start3A_46] : memref<10048x80xf32, #tpu.memory_space<vmem_shared>> -> memref<128x80xf32, #tpu.memory_space<vmem_shared>>
      tpu.enqueue_dma source(%arg13 : memref<128x80xf32, #tpu.memory_space<vmem>>) target(%dma_start3A_47 : memref<128x80xf32, #tpu.memory_space<vmem_shared>>) target_semaphore(%run_scoped3A : memref<!tpu.dma_semaphore, #tpu.memory_space<semaphore_mem>>)
      %dma_wait3A = arith.constant 0 : i32
      %dma_wait3A_48 = tpu.memref_slice %arg14[%add3A_13, %dma_wait3A] : memref<10048x80xf32, #tpu.memory_space<vmem_shared>> -> memref<128x80xf32, #tpu.memory_space<vmem_shared>>
      %dma_wait3A_49 = arith.constant 0 : i32
      %dma_wait3A_50 = tpu.memref_slice %arg14[%add3A_13, %dma_wait3A_49] : memref<10048x80xf32, #tpu.memory_space<vmem_shared>> -> memref<128x80xf32, #tpu.memory_space<vmem_shared>>
      tpu.wait_dma2 semaphore(%run_scoped3A : memref<!tpu.dma_semaphore, #tpu.memory_space<semaphore_mem>>) src(%arg13 : memref<128x80xf32, #tpu.memory_space<vmem>>) dst(%dma_wait3A_50 : memref<128x80xf32, #tpu.memory_space<vmem_shared>>)
      tpu.yield
    }) : () -> ()
    %mul3A_14 = arith.constant 628 : i32
    %mul3A_15 = arith.muli %arg1, %mul3A_14 : i32
    %add3A_16 = arith.constant 256 : i32
    %add3A_17 = arith.addi %mul3A_15, %add3A_16 : i32
    "tpu.region"() ({
      %run_scoped3A = tpu.sem_alloc : memref<!tpu.dma_semaphore, #tpu.memory_space<semaphore_mem>>
      %dma_start3A = arith.constant 0 : i32
      %dma_start3A_45 = tpu.memref_slice %arg14[%add3A_17, %dma_start3A] : memref<10048x80xf32, #tpu.memory_space<vmem_shared>> -> memref<128x80xf32, #tpu.memory_space<vmem_shared>>
      %dma_start3A_46 = arith.constant 0 : i32
      %dma_start3A_47 = tpu.memref_slice %arg14[%add3A_17, %dma_start3A_46] : memref<10048x80xf32, #tpu.memory_space<vmem_shared>> -> memref<128x80xf32, #tpu.memory_space<vmem_shared>>
      tpu.enqueue_dma source(%arg13 : memref<128x80xf32, #tpu.memory_space<vmem>>) target(%dma_start3A_47 : memref<128x80xf32, #tpu.memory_space<vmem_shared>>) target_semaphore(%run_scoped3A : memref<!tpu.dma_semaphore, #tpu.memory_space<semaphore_mem>>)
      %dma_wait3A = arith.constant 0 : i32
      %dma_wait3A_48 = tpu.memref_slice %arg14[%add3A_17, %dma_wait3A] : memref<10048x80xf32, #tpu.memory_space<vmem_shared>> -> memref<128x80xf32, #tpu.memory_space<vmem_shared>>
      %dma_wait3A_49 = arith.constant 0 : i32
      %dma_wait3A_50 = tpu.memref_slice %arg14[%add3A_17, %dma_wait3A_49] : memref<10048x80xf32, #tpu.memory_space<vmem_shared>> -> memref<128x80xf32, #tpu.memory_space<vmem_shared>>
      tpu.wait_dma2 semaphore(%run_scoped3A : memref<!tpu.dma_semaphore, #tpu.memory_space<semaphore_mem>>) src(%arg13 : memref<128x80xf32, #tpu.memory_space<vmem>>) dst(%dma_wait3A_50 : memref<128x80xf32, #tpu.memory_space<vmem_shared>>)
      tpu.yield
    }) : () -> ()
    %mul3A_18 = arith.constant 628 : i32
    %mul3A_19 = arith.muli %arg1, %mul3A_18 : i32
    %add3A_20 = arith.constant 384 : i32
    %add3A_21 = arith.addi %mul3A_19, %add3A_20 : i32
    "tpu.region"() ({
      %run_scoped3A = tpu.sem_alloc : memref<!tpu.dma_semaphore, #tpu.memory_space<semaphore_mem>>
      %dma_start3A = arith.constant 0 : i32
      %dma_start3A_45 = tpu.memref_slice %arg14[%add3A_21, %dma_start3A] : memref<10048x80xf32, #tpu.memory_space<vmem_shared>> -> memref<128x80xf32, #tpu.memory_space<vmem_shared>>
      %dma_start3A_46 = arith.constant 0 : i32
      %dma_start3A_47 = tpu.memref_slice %arg14[%add3A_21, %dma_start3A_46] : memref<10048x80xf32, #tpu.memory_space<vmem_shared>> -> memref<128x80xf32, #tpu.memory_space<vmem_shared>>
      tpu.enqueue_dma source(%arg13 : memref<128x80xf32, #tpu.memory_space<vmem>>) target(%dma_start3A_47 : memref<128x80xf32, #tpu.memory_space<vmem_shared>>) target_semaphore(%run_scoped3A : memref<!tpu.dma_semaphore, #tpu.memory_space<semaphore_mem>>)
      %dma_wait3A = arith.constant 0 : i32
      %dma_wait3A_48 = tpu.memref_slice %arg14[%add3A_21, %dma_wait3A] : memref<10048x80xf32, #tpu.memory_space<vmem_shared>> -> memref<128x80xf32, #tpu.memory_space<vmem_shared>>
      %dma_wait3A_49 = arith.constant 0 : i32
      %dma_wait3A_50 = tpu.memref_slice %arg14[%add3A_21, %dma_wait3A_49] : memref<10048x80xf32, #tpu.memory_space<vmem_shared>> -> memref<128x80xf32, #tpu.memory_space<vmem_shared>>
      tpu.wait_dma2 semaphore(%run_scoped3A : memref<!tpu.dma_semaphore, #tpu.memory_space<semaphore_mem>>) src(%arg13 : memref<128x80xf32, #tpu.memory_space<vmem>>) dst(%dma_wait3A_50 : memref<128x80xf32, #tpu.memory_space<vmem_shared>>)
      tpu.yield
    }) : () -> ()
    %mul3A_22 = arith.constant 628 : i32
    %mul3A_23 = arith.muli %arg1, %mul3A_22 : i32
    %add3A_24 = arith.constant 512 : i32
    %add3A_25 = arith.addi %mul3A_23, %add3A_24 : i32
    "tpu.region"() ({
      %run_scoped3A = tpu.sem_alloc : memref<!tpu.dma_semaphore, #tpu.memory_space<semaphore_mem>>
      %dma_start3A = arith.constant 0 : i32
      %dma_start3A_45 = arith.constant 0 : i32
      %dma_start3A_46 = tpu.memref_slice %arg13[%dma_start3A, %dma_start3A_45] : memref<128x80xf32, #tpu.memory_space<vmem>> -> memref<116x80xf32, #tpu.memory_space<vmem>>
      %dma_start3A_47 = arith.constant 0 : i32
      %dma_start3A_48 = tpu.memref_slice %arg14[%add3A_25, %dma_start3A_47] : memref<10048x80xf32, #tpu.memory_space<vmem_shared>> -> memref<116x80xf32, #tpu.memory_space<vmem_shared>>
      %dma_start3A_49 = arith.constant 0 : i32
      %dma_start3A_50 = tpu.memref_slice %arg14[%add3A_25, %dma_start3A_49] : memref<10048x80xf32, #tpu.memory_space<vmem_shared>> -> memref<116x80xf32, #tpu.memory_space<vmem_shared>>
      %dma_start3A_51 = arith.constant 0 : i32
      %dma_start3A_52 = arith.constant 0 : i32
      %dma_start3A_53 = tpu.memref_slice %arg13[%dma_start3A_51, %dma_start3A_52] : memref<128x80xf32, #tpu.memory_space<vmem>> -> memref<116x80xf32, #tpu.memory_space<vmem>>
      tpu.enqueue_dma source(%dma_start3A_53 : memref<116x80xf32, #tpu.memory_space<vmem>>) target(%dma_start3A_50 : memref<116x80xf32, #tpu.memory_space<vmem_shared>>) target_semaphore(%run_scoped3A : memref<!tpu.dma_semaphore, #tpu.memory_space<semaphore_mem>>)
      %dma_wait3A = arith.constant 0 : i32
      %dma_wait3A_54 = arith.constant 0 : i32
      %dma_wait3A_55 = tpu.memref_slice %arg13[%dma_wait3A, %dma_wait3A_54] : memref<128x80xf32, #tpu.memory_space<vmem>> -> memref<116x80xf32, #tpu.memory_space<vmem>>
      %dma_wait3A_56 = arith.constant 0 : i32
      %dma_wait3A_57 = tpu.memref_slice %arg14[%add3A_25, %dma_wait3A_56] : memref<10048x80xf32, #tpu.memory_space<vmem_shared>> -> memref<116x80xf32, #tpu.memory_space<vmem_shared>>
      %dma_wait3A_58 = arith.constant 0 : i32
      %dma_wait3A_59 = tpu.memref_slice %arg14[%add3A_25, %dma_wait3A_58] : memref<10048x80xf32, #tpu.memory_space<vmem_shared>> -> memref<116x80xf32, #tpu.memory_space<vmem_shared>>
      %dma_wait3A_60 = arith.constant 0 : i32
      %dma_wait3A_61 = arith.constant 0 : i32
      %dma_wait3A_62 = tpu.memref_slice %arg13[%dma_wait3A_60, %dma_wait3A_61] : memref<128x80xf32, #tpu.memory_space<vmem>> -> memref<116x80xf32, #tpu.memory_space<vmem>>
      tpu.wait_dma2 semaphore(%run_scoped3A : memref<!tpu.dma_semaphore, #tpu.memory_space<semaphore_mem>>) src(%dma_wait3A_62 : memref<116x80xf32, #tpu.memory_space<vmem>>) dst(%dma_wait3A_59 : memref<116x80xf32, #tpu.memory_space<vmem_shared>>)
      tpu.yield
    }) : () -> ()
    %barrier3A = arith.constant 0 : index
    tpu.barrier barrier_id(%barrier3A)
    %mul3A_26 = arith.constant 16 : i32
    %mul3A_27 = arith.muli %arg0, %mul3A_26 : i32
    %add3A_28 = arith.addi %mul3A_27, %arg1 : i32
    %mul3A_29 = arith.constant 10368 : i32
    %mul3A_30 = arith.muli %add3A_28, %mul3A_29 : i32
    %scan3A_31 = arith.constant 0 : i32
    %scan3A_32 = arith.constant 0 : i32
    %scan3A_33 = arith.constant 81 : i32
    %scan3A_34 = arith.addi %scan3A_32, %scan3A_33 : i32
    %scan3A_35 = arith.constant 1 : i32
    scf.for %scan3A_45 = %scan3A_32 to %scan3A_34 step %scan3A_35  : i32 {
      %mul3A_46 = arith.constant 128 : i32
      %mul3A_47 = arith.muli %scan3A_45, %mul3A_46 : i32
      %add3A_48 = arith.addi %mul3A_30, %mul3A_47 : i32
      %mul3A_49 = arith.constant 128 : i32
      %mul3A_50 = arith.muli %scan3A_45, %mul3A_49 : i32
      %add3A_51 = arith.addi %mul3A_30, %mul3A_50 : i32
      "tpu.region"() ({
        %run_scoped3A = tpu.sem_alloc : memref<!tpu.dma_semaphore, #tpu.memory_space<semaphore_mem>>
        %dma_start3A_277 = tpu.memref_slice %arg3[%add3A_51] : memref<331776xi32, #tpu.memory_space<hbm>> -> memref<128xi32, #tpu.memory_space<hbm>>
        %dma_start3A_278 = tpu.memref_slice %arg3[%add3A_51] : memref<331776xi32, #tpu.memory_space<hbm>> -> memref<128xi32, #tpu.memory_space<hbm>>
        tpu.enqueue_dma source(%dma_start3A_278 : memref<128xi32, #tpu.memory_space<hbm>>) target(%arg10 : memref<128xi32, #tpu.memory_space<vmem>>) target_semaphore(%run_scoped3A : memref<!tpu.dma_semaphore, #tpu.memory_space<semaphore_mem>>)
        %dma_wait3A_279 = tpu.memref_slice %arg3[%add3A_51] : memref<331776xi32, #tpu.memory_space<hbm>> -> memref<128xi32, #tpu.memory_space<hbm>>
        %dma_wait3A_280 = tpu.memref_slice %arg3[%add3A_51] : memref<331776xi32, #tpu.memory_space<hbm>> -> memref<128xi32, #tpu.memory_space<hbm>>
        tpu.wait_dma2 semaphore(%run_scoped3A : memref<!tpu.dma_semaphore, #tpu.memory_space<semaphore_mem>>) src(%dma_wait3A_280 : memref<128xi32, #tpu.memory_space<hbm>>) dst(%arg10 : memref<128xi32, #tpu.memory_space<vmem>>)
        tpu.yield
      }) : () -> ()
      "tpu.region"() ({
        %run_scoped3A = tpu.sem_alloc : memref<!tpu.dma_semaphore, #tpu.memory_space<semaphore_mem>>
        %dma_start3A_277 = tpu.memref_slice %arg4[%add3A_48] : memref<331776xi32, #tpu.memory_space<hbm>> -> memref<128xi32, #tpu.memory_space<hbm>>
        %dma_start3A_278 = tpu.memref_slice %arg4[%add3A_48] : memref<331776xi32, #tpu.memory_space<hbm>> -> memref<128xi32, #tpu.memory_space<hbm>>
        tpu.enqueue_dma source(%dma_start3A_278 : memref<128xi32, #tpu.memory_space<hbm>>) target(%arg11 : memref<128xi32, #tpu.memory_space<vmem>>) target_semaphore(%run_scoped3A : memref<!tpu.dma_semaphore, #tpu.memory_space<semaphore_mem>>)
        %dma_wait3A_279 = tpu.memref_slice %arg4[%add3A_48] : memref<331776xi32, #tpu.memory_space<hbm>> -> memref<128xi32, #tpu.memory_space<hbm>>
        %dma_wait3A_280 = tpu.memref_slice %arg4[%add3A_48] : memref<331776xi32, #tpu.memory_space<hbm>> -> memref<128xi32, #tpu.memory_space<hbm>>
        tpu.wait_dma2 semaphore(%run_scoped3A : memref<!tpu.dma_semaphore, #tpu.memory_space<semaphore_mem>>) src(%dma_wait3A_280 : memref<128xi32, #tpu.memory_space<hbm>>) dst(%arg11 : memref<128xi32, #tpu.memory_space<vmem>>)
        tpu.yield
      }) : () -> ()
      %dma_start3A = arith.constant 0 : i32
      %dma_start3A_52 = arith.constant 0 : i32
      %dma_start3A_53 = tpu.memref_slice %arg2[%dma_start3A, %dma_start3A_52] : memref<10048x80xf32, #tpu.memory_space<hbm>> -> memref<10048x80xf32, #tpu.memory_space<hbm>>
      tpu.enqueue_indirect_dma source(%dma_start3A_53 : memref<10048x80xf32, #tpu.memory_space<hbm>>) target(%arg13 : memref<128x80xf32, #tpu.memory_space<vmem>>) offsets(%arg10 : memref<128xi32, #tpu.memory_space<vmem>>) semaphore(%arg15 : memref<!tpu.dma_semaphore, #tpu.memory_space<semaphore_mem>>)
      %dma_wait3A = arith.constant 0 : i32
      %dma_wait3A_54 = arith.constant 0 : i32
      %dma_wait3A_55 = tpu.memref_slice %arg2[%dma_wait3A, %dma_wait3A_54] : memref<10048x80xf32, #tpu.memory_space<hbm>> -> memref<10048x80xf32, #tpu.memory_space<hbm>>
      tpu.wait_indirect_dma semaphore(%arg15 : memref<!tpu.dma_semaphore, #tpu.memory_space<semaphore_mem>>) src(%dma_wait3A_55 : memref<10048x80xf32, #tpu.memory_space<hbm>>) dst(%arg13 : memref<128x80xf32, #tpu.memory_space<vmem>>)
      %get3A = arith.constant 0 : index
      %get3A_56 = tpu.vector_load %arg10[%get3A] {strides = array<i32>} : memref<128xi32, #tpu.memory_space<vmem>>, vector<16xi32>,
      %get3A_57 = arith.constant 0 : index
      %get3A_58 = tpu.vector_load %arg11[%get3A_57] {strides = array<i32>} : memref<128xi32, #tpu.memory_space<vmem>>, vector<16xi32>,
      %gather3A = tpu.vector_load_idx %arg8[%get3A_56] : memref<10048xf32, #tpu.memory_space<vmem>>[vector<16xi32>], vector<16xf32>,
      %gather3A_59 = tpu.vector_load_idx %arg9[%get3A_58] : memref<10048xf32, #tpu.memory_space<vmem>>[vector<16xi32>], vector<16xf32>,
      %add3A_60 = arith.addf %gather3A, %gather3A_59 : vector<16xf32>
      %ge3A = arith.constant 0.000000e+00 : f32
      %ge3A_61 = vector.broadcast %ge3A : f32 to vector<16xf32>
      %ge3A_62 = arith.cmpf oge, %add3A_60, %ge3A_61 : vector<16xf32>
      %mul3A_63 = arith.constant 2.000000e-01 : f32
      %mul3A_64 = vector.broadcast %mul3A_63 : f32 to vector<16xf32>
      %mul3A_65 = arith.mulf %mul3A_64, %add3A_60 : vector<16xf32>
      %select_n3A = arith.select %ge3A_62, %add3A_60, %mul3A_65 : vector<16xi1>, vector<16xf32>
      %exp3A = math.exp %select_n3A : vector<16xf32>
      %add3A_66 = arith.constant 0 : i32
      %add3A_67 = arith.addi %add3A_48, %add3A_66 : i32
      %iota3A = tpu.iota {dimensions = array<i32: 0>} : vector<16xi32>
      %add3A_68 = vector.broadcast %add3A_67 : i32 to vector<16xi32>
      %add3A_69 = arith.addi %add3A_68, %iota3A : vector<16xi32>
      %lt3A = arith.constant 330000 : i32
      %lt3A_70 = vector.broadcast %lt3A : i32 to vector<16xi32>
      %lt3A_71 = arith.cmpi slt, %add3A_69, %lt3A_70 : vector<16xi32>
      %jit3A = arith.constant 0.000000e+00 : f32
      %broadcast_in_dim3A_72 = vector.broadcast %jit3A : f32 to vector<16xf32>
      %select_n3A_73 = arith.select %lt3A_71, %exp3A, %broadcast_in_dim3A_72 : vector<16xi1>, vector<16xf32>
      %swap3A = arith.constant 0 : index
      %swap3A_74 = tpu.vector_load %arg12[%swap3A] {strides = array<i32>} : memref<128xf32, #tpu.memory_space<vmem>>, vector<16xf32>,
      tpu.vector_store %arg12[%swap3A], %select_n3A_73 {strides = array<i32>} : memref<128xf32, #tpu.memory_space<vmem>>, vector<16xf32>,
      %get3A_75 = arith.constant 16 : index
      %get3A_76 = tpu.vector_load %arg10[%get3A_75] {strides = array<i32>} : memref<128xi32, #tpu.memory_space<vmem>>, vector<16xi32>,
      %get3A_77 = arith.constant 16 : index
      %get3A_78 = tpu.vector_load %arg11[%get3A_77] {strides = array<i32>} : memref<128xi32, #tpu.memory_space<vmem>>, vector<16xi32>,
      %gather3A_79 = tpu.vector_load_idx %arg8[%get3A_76] : memref<10048xf32, #tpu.memory_space<vmem>>[vector<16xi32>], vector<16xf32>,
      %gather3A_80 = tpu.vector_load_idx %arg9[%get3A_78] : memref<10048xf32, #tpu.memory_space<vmem>>[vector<16xi32>], vector<16xf32>,
      %add3A_81 = arith.addf %gather3A_79, %gather3A_80 : vector<16xf32>
      %ge3A_82 = arith.constant 0.000000e+00 : f32
      %ge3A_83 = vector.broadcast %ge3A_82 : f32 to vector<16xf32>
      %ge3A_84 = arith.cmpf oge, %add3A_81, %ge3A_83 : vector<16xf32>
      %mul3A_85 = arith.constant 2.000000e-01 : f32
      %mul3A_86 = vector.broadcast %mul3A_85 : f32 to vector<16xf32>
      %mul3A_87 = arith.mulf %mul3A_86, %add3A_81 : vector<16xf32>
      %select_n3A_88 = arith.select %ge3A_84, %add3A_81, %mul3A_87 : vector<16xi1>, vector<16xf32>
      %exp3A_89 = math.exp %select_n3A_88 : vector<16xf32>
      %add3A_90 = arith.constant 16 : i32
      %add3A_91 = arith.addi %add3A_48, %add3A_90 : i32
      %iota3A_92 = tpu.iota {dimensions = array<i32: 0>} : vector<16xi32>
      %add3A_93 = vector.broadcast %add3A_91 : i32 to vector<16xi32>
      %add3A_94 = arith.addi %add3A_93, %iota3A_92 : vector<16xi32>
      %lt3A_95 = arith.constant 330000 : i32
      %lt3A_96 = vector.broadcast %lt3A_95 : i32 to vector<16xi32>
      %lt3A_97 = arith.cmpi slt, %add3A_94, %lt3A_96 : vector<16xi32>
      %jit3A_98 = arith.constant 0.000000e+00 : f32
      %broadcast_in_dim3A_99 = vector.broadcast %jit3A_98 : f32 to vector<16xf32>
      %select_n3A_100 = arith.select %lt3A_97, %exp3A_89, %broadcast_in_dim3A_99 : vector<16xi1>, vector<16xf32>
      %swap3A_101 = arith.constant 16 : index
      %swap3A_102 = tpu.vector_load %arg12[%swap3A_101] {strides = array<i32>} : memref<128xf32, #tpu.memory_space<vmem>>, vector<16xf32>,
      tpu.vector_store %arg12[%swap3A_101], %select_n3A_100 {strides = array<i32>} : memref<128xf32, #tpu.memory_space<vmem>>, vector<16xf32>,
      %get3A_103 = arith.constant 32 : index
      %get3A_104 = tpu.vector_load %arg10[%get3A_103] {strides = array<i32>} : memref<128xi32, #tpu.memory_space<vmem>>, vector<16xi32>,
      %get3A_105 = arith.constant 32 : index
      %get3A_106 = tpu.vector_load %arg11[%get3A_105] {strides = array<i32>} : memref<128xi32, #tpu.memory_space<vmem>>, vector<16xi32>,
      %gather3A_107 = tpu.vector_load_idx %arg8[%get3A_104] : memref<10048xf32, #tpu.memory_space<vmem>>[vector<16xi32>], vector<16xf32>,
      %gather3A_108 = tpu.vector_load_idx %arg9[%get3A_106] : memref<10048xf32, #tpu.memory_space<vmem>>[vector<16xi32>], vector<16xf32>,
      %add3A_109 = arith.addf %gather3A_107, %gather3A_108 : vector<16xf32>
      %ge3A_110 = arith.constant 0.000000e+00 : f32
      %ge3A_111 = vector.broadcast %ge3A_110 : f32 to vector<16xf32>
      %ge3A_112 = arith.cmpf oge, %add3A_109, %ge3A_111 : vector<16xf32>
      %mul3A_113 = arith.constant 2.000000e-01 : f32
      %mul3A_114 = vector.broadcast %mul3A_113 : f32 to vector<16xf32>
      %mul3A_115 = arith.mulf %mul3A_114, %add3A_109 : vector<16xf32>
      %select_n3A_116 = arith.select %ge3A_112, %add3A_109, %mul3A_115 : vector<16xi1>, vector<16xf32>
      %exp3A_117 = math.exp %select_n3A_116 : vector<16xf32>
      %add3A_118 = arith.constant 32 : i32
      %add3A_119 = arith.addi %add3A_48, %add3A_118 : i32
      %iota3A_120 = tpu.iota {dimensions = array<i32: 0>} : vector<16xi32>
      %add3A_121 = vector.broadcast %add3A_119 : i32 to vector<16xi32>
      %add3A_122 = arith.addi %add3A_121, %iota3A_120 : vector<16xi32>
      %lt3A_123 = arith.constant 330000 : i32
      %lt3A_124 = vector.broadcast %lt3A_123 : i32 to vector<16xi32>
      %lt3A_125 = arith.cmpi slt, %add3A_122, %lt3A_124 : vector<16xi32>
      %jit3A_126 = arith.constant 0.000000e+00 : f32
      %broadcast_in_dim3A_127 = vector.broadcast %jit3A_126 : f32 to vector<16xf32>
      %select_n3A_128 = arith.select %lt3A_125, %exp3A_117, %broadcast_in_dim3A_127 : vector<16xi1>, vector<16xf32>
      %swap3A_129 = arith.constant 32 : index
      %swap3A_130 = tpu.vector_load %arg12[%swap3A_129] {strides = array<i32>} : memref<128xf32, #tpu.memory_space<vmem>>, vector<16xf32>,
      tpu.vector_store %arg12[%swap3A_129], %select_n3A_128 {strides = array<i32>} : memref<128xf32, #tpu.memory_space<vmem>>, vector<16xf32>,
      %get3A_131 = arith.constant 48 : index
      %get3A_132 = tpu.vector_load %arg10[%get3A_131] {strides = array<i32>} : memref<128xi32, #tpu.memory_space<vmem>>, vector<16xi32>,
      %get3A_133 = arith.constant 48 : index
      %get3A_134 = tpu.vector_load %arg11[%get3A_133] {strides = array<i32>} : memref<128xi32, #tpu.memory_space<vmem>>, vector<16xi32>,
      %gather3A_135 = tpu.vector_load_idx %arg8[%get3A_132] : memref<10048xf32, #tpu.memory_space<vmem>>[vector<16xi32>], vector<16xf32>,
      %gather3A_136 = tpu.vector_load_idx %arg9[%get3A_134] : memref<10048xf32, #tpu.memory_space<vmem>>[vector<16xi32>], vector<16xf32>,
      %add3A_137 = arith.addf %gather3A_135, %gather3A_136 : vector<16xf32>
      %ge3A_138 = arith.constant 0.000000e+00 : f32
      %ge3A_139 = vector.broadcast %ge3A_138 : f32 to vector<16xf32>
      %ge3A_140 = arith.cmpf oge, %add3A_137, %ge3A_139 : vector<16xf32>
      %mul3A_141 = arith.constant 2.000000e-01 : f32
      %mul3A_142 = vector.broadcast %mul3A_141 : f32 to vector<16xf32>
      %mul3A_143 = arith.mulf %mul3A_142, %add3A_137 : vector<16xf32>
      %select_n3A_144 = arith.select %ge3A_140, %add3A_137, %mul3A_143 : vector<16xi1>, vector<16xf32>
      %exp3A_145 = math.exp %select_n3A_144 : vector<16xf32>
      %add3A_146 = arith.constant 48 : i32
      %add3A_147 = arith.addi %add3A_48, %add3A_146 : i32
      %iota3A_148 = tpu.iota {dimensions = array<i32: 0>} : vector<16xi32>
      %add3A_149 = vector.broadcast %add3A_147 : i32 to vector<16xi32>
      %add3A_150 = arith.addi %add3A_149, %iota3A_148 : vector<16xi32>
      %lt3A_151 = arith.constant 330000 : i32
      %lt3A_152 = vector.broadcast %lt3A_151 : i32 to vector<16xi32>
      %lt3A_153 = arith.cmpi slt, %add3A_150, %lt3A_152 : vector<16xi32>
      %jit3A_154 = arith.constant 0.000000e+00 : f32
      %broadcast_in_dim3A_155 = vector.broadcast %jit3A_154 : f32 to vector<16xf32>
      %select_n3A_156 = arith.select %lt3A_153, %exp3A_145, %broadcast_in_dim3A_155 : vector<16xi1>, vector<16xf32>
      %swap3A_157 = arith.constant 48 : index
      %swap3A_158 = tpu.vector_load %arg12[%swap3A_157] {strides = array<i32>} : memref<128xf32, #tpu.memory_space<vmem>>, vector<16xf32>,
      tpu.vector_store %arg12[%swap3A_157], %select_n3A_156 {strides = array<i32>} : memref<128xf32, #tpu.memory_space<vmem>>, vector<16xf32>,
      %get3A_159 = arith.constant 64 : index
      %get3A_160 = tpu.vector_load %arg10[%get3A_159] {strides = array<i32>} : memref<128xi32, #tpu.memory_space<vmem>>, vector<16xi32>,
      %get3A_161 = arith.constant 64 : index
      %get3A_162 = tpu.vector_load %arg11[%get3A_161] {strides = array<i32>} : memref<128xi32, #tpu.memory_space<vmem>>, vector<16xi32>,
      %gather3A_163 = tpu.vector_load_idx %arg8[%get3A_160] : memref<10048xf32, #tpu.memory_space<vmem>>[vector<16xi32>], vector<16xf32>,
      %gather3A_164 = tpu.vector_load_idx %arg9[%get3A_162] : memref<10048xf32, #tpu.memory_space<vmem>>[vector<16xi32>], vector<16xf32>,
      %add3A_165 = arith.addf %gather3A_163, %gather3A_164 : vector<16xf32>
      %ge3A_166 = arith.constant 0.000000e+00 : f32
      %ge3A_167 = vector.broadcast %ge3A_166 : f32 to vector<16xf32>
      %ge3A_168 = arith.cmpf oge, %add3A_165, %ge3A_167 : vector<16xf32>
      %mul3A_169 = arith.constant 2.000000e-01 : f32
      %mul3A_170 = vector.broadcast %mul3A_169 : f32 to vector<16xf32>
      %mul3A_171 = arith.mulf %mul3A_170, %add3A_165 : vector<16xf32>
      %select_n3A_172 = arith.select %ge3A_168, %add3A_165, %mul3A_171 : vector<16xi1>, vector<16xf32>
      %exp3A_173 = math.exp %select_n3A_172 : vector<16xf32>
      %add3A_174 = arith.constant 64 : i32
      %add3A_175 = arith.addi %add3A_48, %add3A_174 : i32
      %iota3A_176 = tpu.iota {dimensions = array<i32: 0>} : vector<16xi32>
      %add3A_177 = vector.broadcast %add3A_175 : i32 to vector<16xi32>
      %add3A_178 = arith.addi %add3A_177, %iota3A_176 : vector<16xi32>
      %lt3A_179 = arith.constant 330000 : i32
      %lt3A_180 = vector.broadcast %lt3A_179 : i32 to vector<16xi32>
      %lt3A_181 = arith.cmpi slt, %add3A_178, %lt3A_180 : vector<16xi32>
      %jit3A_182 = arith.constant 0.000000e+00 : f32
      %broadcast_in_dim3A_183 = vector.broadcast %jit3A_182 : f32 to vector<16xf32>
      %select_n3A_184 = arith.select %lt3A_181, %exp3A_173, %broadcast_in_dim3A_183 : vector<16xi1>, vector<16xf32>
      %swap3A_185 = arith.constant 64 : index
      %swap3A_186 = tpu.vector_load %arg12[%swap3A_185] {strides = array<i32>} : memref<128xf32, #tpu.memory_space<vmem>>, vector<16xf32>,
      tpu.vector_store %arg12[%swap3A_185], %select_n3A_184 {strides = array<i32>} : memref<128xf32, #tpu.memory_space<vmem>>, vector<16xf32>,
      %get3A_187 = arith.constant 80 : index
      %get3A_188 = tpu.vector_load %arg10[%get3A_187] {strides = array<i32>} : memref<128xi32, #tpu.memory_space<vmem>>, vector<16xi32>,
      %get3A_189 = arith.constant 80 : index
      %get3A_190 = tpu.vector_load %arg11[%get3A_189] {strides = array<i32>} : memref<128xi32, #tpu.memory_space<vmem>>, vector<16xi32>,
      %gather3A_191 = tpu.vector_load_idx %arg8[%get3A_188] : memref<10048xf32, #tpu.memory_space<vmem>>[vector<16xi32>], vector<16xf32>,
      %gather3A_192 = tpu.vector_load_idx %arg9[%get3A_190] : memref<10048xf32, #tpu.memory_space<vmem>>[vector<16xi32>], vector<16xf32>,
      %add3A_193 = arith.addf %gather3A_191, %gather3A_192 : vector<16xf32>
      %ge3A_194 = arith.constant 0.000000e+00 : f32
      %ge3A_195 = vector.broadcast %ge3A_194 : f32 to vector<16xf32>
      %ge3A_196 = arith.cmpf oge, %add3A_193, %ge3A_195 : vector<16xf32>
      %mul3A_197 = arith.constant 2.000000e-01 : f32
      %mul3A_198 = vector.broadcast %mul3A_197 : f32 to vector<16xf32>
      %mul3A_199 = arith.mulf %mul3A_198, %add3A_193 : vector<16xf32>
      %select_n3A_200 = arith.select %ge3A_196, %add3A_193, %mul3A_199 : vector<16xi1>, vector<16xf32>
      %exp3A_201 = math.exp %select_n3A_200 : vector<16xf32>
      %add3A_202 = arith.constant 80 : i32
      %add3A_203 = arith.addi %add3A_48, %add3A_202 : i32
      %iota3A_204 = tpu.iota {dimensions = array<i32: 0>} : vector<16xi32>
      %add3A_205 = vector.broadcast %add3A_203 : i32 to vector<16xi32>
      %add3A_206 = arith.addi %add3A_205, %iota3A_204 : vector<16xi32>
      %lt3A_207 = arith.constant 330000 : i32
      %lt3A_208 = vector.broadcast %lt3A_207 : i32 to vector<16xi32>
      %lt3A_209 = arith.cmpi slt, %add3A_206, %lt3A_208 : vector<16xi32>
      %jit3A_210 = arith.constant 0.000000e+00 : f32
      %broadcast_in_dim3A_211 = vector.broadcast %jit3A_210 : f32 to vector<16xf32>
      %select_n3A_212 = arith.select %lt3A_209, %exp3A_201, %broadcast_in_dim3A_211 : vector<16xi1>, vector<16xf32>
      %swap3A_213 = arith.constant 80 : index
      %swap3A_214 = tpu.vector_load %arg12[%swap3A_213] {strides = array<i32>} : memref<128xf32, #tpu.memory_space<vmem>>, vector<16xf32>,
      tpu.vector_store %arg12[%swap3A_213], %select_n3A_212 {strides = array<i32>} : memref<128xf32, #tpu.memory_space<vmem>>, vector<16xf32>,
      %get3A_215 = arith.constant 96 : index
      %get3A_216 = tpu.vector_load %arg10[%get3A_215] {strides = array<i32>} : memref<128xi32, #tpu.memory_space<vmem>>, vector<16xi32>,
      %get3A_217 = arith.constant 96 : index
      %get3A_218 = tpu.vector_load %arg11[%get3A_217] {strides = array<i32>} : memref<128xi32, #tpu.memory_space<vmem>>, vector<16xi32>,
      %gather3A_219 = tpu.vector_load_idx %arg8[%get3A_216] : memref<10048xf32, #tpu.memory_space<vmem>>[vector<16xi32>], vector<16xf32>,
      %gather3A_220 = tpu.vector_load_idx %arg9[%get3A_218] : memref<10048xf32, #tpu.memory_space<vmem>>[vector<16xi32>], vector<16xf32>,
      %add3A_221 = arith.addf %gather3A_219, %gather3A_220 : vector<16xf32>
      %ge3A_222 = arith.constant 0.000000e+00 : f32
      %ge3A_223 = vector.broadcast %ge3A_222 : f32 to vector<16xf32>
      %ge3A_224 = arith.cmpf oge, %add3A_221, %ge3A_223 : vector<16xf32>
      %mul3A_225 = arith.constant 2.000000e-01 : f32
      %mul3A_226 = vector.broadcast %mul3A_225 : f32 to vector<16xf32>
      %mul3A_227 = arith.mulf %mul3A_226, %add3A_221 : vector<16xf32>
      %select_n3A_228 = arith.select %ge3A_224, %add3A_221, %mul3A_227 : vector<16xi1>, vector<16xf32>
      %exp3A_229 = math.exp %select_n3A_228 : vector<16xf32>
      %add3A_230 = arith.constant 96 : i32
      %add3A_231 = arith.addi %add3A_48, %add3A_230 : i32
      %iota3A_232 = tpu.iota {dimensions = array<i32: 0>} : vector<16xi32>
      %add3A_233 = vector.broadcast %add3A_231 : i32 to vector<16xi32>
      %add3A_234 = arith.addi %add3A_233, %iota3A_232 : vector<16xi32>
      %lt3A_235 = arith.constant 330000 : i32
      %lt3A_236 = vector.broadcast %lt3A_235 : i32 to vector<16xi32>
      %lt3A_237 = arith.cmpi slt, %add3A_234, %lt3A_236 : vector<16xi32>
      %jit3A_238 = arith.constant 0.000000e+00 : f32
      %broadcast_in_dim3A_239 = vector.broadcast %jit3A_238 : f32 to vector<16xf32>
      %select_n3A_240 = arith.select %lt3A_237, %exp3A_229, %broadcast_in_dim3A_239 : vector<16xi1>, vector<16xf32>
      %swap3A_241 = arith.constant 96 : index
      %swap3A_242 = tpu.vector_load %arg12[%swap3A_241] {strides = array<i32>} : memref<128xf32, #tpu.memory_space<vmem>>, vector<16xf32>,
      tpu.vector_store %arg12[%swap3A_241], %select_n3A_240 {strides = array<i32>} : memref<128xf32, #tpu.memory_space<vmem>>, vector<16xf32>,
      %get3A_243 = arith.constant 112 : index
      %get3A_244 = tpu.vector_load %arg10[%get3A_243] {strides = array<i32>} : memref<128xi32, #tpu.memory_space<vmem>>, vector<16xi32>,
      %get3A_245 = arith.constant 112 : index
      %get3A_246 = tpu.vector_load %arg11[%get3A_245] {strides = array<i32>} : memref<128xi32, #tpu.memory_space<vmem>>, vector<16xi32>,
      %gather3A_247 = tpu.vector_load_idx %arg8[%get3A_244] : memref<10048xf32, #tpu.memory_space<vmem>>[vector<16xi32>], vector<16xf32>,
      %gather3A_248 = tpu.vector_load_idx %arg9[%get3A_246] : memref<10048xf32, #tpu.memory_space<vmem>>[vector<16xi32>], vector<16xf32>,
      %add3A_249 = arith.addf %gather3A_247, %gather3A_248 : vector<16xf32>
      %ge3A_250 = arith.constant 0.000000e+00 : f32
      %ge3A_251 = vector.broadcast %ge3A_250 : f32 to vector<16xf32>
      %ge3A_252 = arith.cmpf oge, %add3A_249, %ge3A_251 : vector<16xf32>
      %mul3A_253 = arith.constant 2.000000e-01 : f32
      %mul3A_254 = vector.broadcast %mul3A_253 : f32 to vector<16xf32>
      %mul3A_255 = arith.mulf %mul3A_254, %add3A_249 : vector<16xf32>
      %select_n3A_256 = arith.select %ge3A_252, %add3A_249, %mul3A_255 : vector<16xi1>, vector<16xf32>
      %exp3A_257 = math.exp %select_n3A_256 : vector<16xf32>
      %add3A_258 = arith.constant 112 : i32
      %add3A_259 = arith.addi %add3A_48, %add3A_258 : i32
      %iota3A_260 = tpu.iota {dimensions = array<i32: 0>} : vector<16xi32>
      %add3A_261 = vector.broadcast %add3A_259 : i32 to vector<16xi32>
      %add3A_262 = arith.addi %add3A_261, %iota3A_260 : vector<16xi32>
      %lt3A_263 = arith.constant 330000 : i32
      %lt3A_264 = vector.broadcast %lt3A_263 : i32 to vector<16xi32>
      %lt3A_265 = arith.cmpi slt, %add3A_262, %lt3A_264 : vector<16xi32>
      %jit3A_266 = arith.constant 0.000000e+00 : f32
      %broadcast_in_dim3A_267 = vector.broadcast %jit3A_266 : f32 to vector<16xf32>
      %select_n3A_268 = arith.select %lt3A_265, %exp3A_257, %broadcast_in_dim3A_267 : vector<16xi1>, vector<16xf32>
      %swap3A_269 = arith.constant 112 : index
      %swap3A_270 = tpu.vector_load %arg12[%swap3A_269] {strides = array<i32>} : memref<128xf32, #tpu.memory_space<vmem>>, vector<16xf32>,
      tpu.vector_store %arg12[%swap3A_269], %select_n3A_268 {strides = array<i32>} : memref<128xf32, #tpu.memory_space<vmem>>, vector<16xf32>,
      %scan3A_271 = arith.constant 0 : i32
      %scan3A_272 = arith.constant 0 : i32
      %scan3A_273 = arith.constant 128 : i32
      %scan3A_274 = arith.addi %scan3A_272, %scan3A_273 : i32
      %scan3A_275 = arith.constant 1 : i32
      scf.for %scan3A_277 = %scan3A_272 to %scan3A_274 step %scan3A_275  : i32 {
        %broadcast_in_dim3A_278 = vector.broadcast %scan3A_277 : i32 to vector<16xi32>
        %gather3A_279 = tpu.vector_load_idx %arg12[%broadcast_in_dim3A_278] : memref<128xf32, #tpu.memory_space<vmem>>[vector<16xi32>], vector<16xf32>,
        %get3A_280 = arith.index_cast %scan3A_277 : i32 to index
        %get3A_281 = arith.constant 0 : index
        %get3A_282 = tpu.vector_load %arg13[%get3A_280, %get3A_281] {strides = array<i32>} : memref<128x80xf32, #tpu.memory_space<vmem>>, vector<16xf32>,
        %mul3A_283 = arith.mulf %get3A_282, %gather3A_279 : vector<16xf32>
        %swap3A_284 = arith.index_cast %scan3A_277 : i32 to index
        %swap3A_285 = arith.constant 0 : index
        %swap3A_286 = tpu.vector_load %arg13[%swap3A_284, %swap3A_285] {strides = array<i32>} : memref<128x80xf32, #tpu.memory_space<vmem>>, vector<16xf32>,
        tpu.vector_store %arg13[%swap3A_284, %swap3A_285], %mul3A_283 {strides = array<i32>} : memref<128x80xf32, #tpu.memory_space<vmem>>, vector<16xf32>,
        %get3A_287 = arith.index_cast %scan3A_277 : i32 to index
        %get3A_288 = arith.constant 16 : index
        %get3A_289 = tpu.vector_load %arg13[%get3A_287, %get3A_288] {strides = array<i32>} : memref<128x80xf32, #tpu.memory_space<vmem>>, vector<16xf32>,
        %mul3A_290 = arith.mulf %get3A_289, %gather3A_279 : vector<16xf32>
        %swap3A_291 = arith.index_cast %scan3A_277 : i32 to index
        %swap3A_292 = arith.constant 16 : index
        %swap3A_293 = tpu.vector_load %arg13[%swap3A_291, %swap3A_292] {strides = array<i32>} : memref<128x80xf32, #tpu.memory_space<vmem>>, vector<16xf32>,
        tpu.vector_store %arg13[%swap3A_291, %swap3A_292], %mul3A_290 {strides = array<i32>} : memref<128x80xf32, #tpu.memory_space<vmem>>, vector<16xf32>,
        %get3A_294 = arith.index_cast %scan3A_277 : i32 to index
        %get3A_295 = arith.constant 32 : index
        %get3A_296 = tpu.vector_load %arg13[%get3A_294, %get3A_295] {strides = array<i32>} : memref<128x80xf32, #tpu.memory_space<vmem>>, vector<16xf32>,
        %mul3A_297 = arith.mulf %get3A_296, %gather3A_279 : vector<16xf32>
        %swap3A_298 = arith.index_cast %scan3A_277 : i32 to index
        %swap3A_299 = arith.constant 32 : index
        %swap3A_300 = tpu.vector_load %arg13[%swap3A_298, %swap3A_299] {strides = array<i32>} : memref<128x80xf32, #tpu.memory_space<vmem>>, vector<16xf32>,
        tpu.vector_store %arg13[%swap3A_298, %swap3A_299], %mul3A_297 {strides = array<i32>} : memref<128x80xf32, #tpu.memory_space<vmem>>, vector<16xf32>,
        %get3A_301 = arith.index_cast %scan3A_277 : i32 to index
        %get3A_302 = arith.constant 48 : index
        %get3A_303 = tpu.vector_load %arg13[%get3A_301, %get3A_302] {strides = array<i32>} : memref<128x80xf32, #tpu.memory_space<vmem>>, vector<16xf32>,
        %mul3A_304 = arith.mulf %get3A_303, %gather3A_279 : vector<16xf32>
        %swap3A_305 = arith.index_cast %scan3A_277 : i32 to index
        %swap3A_306 = arith.constant 48 : index
        %swap3A_307 = tpu.vector_load %arg13[%swap3A_305, %swap3A_306] {strides = array<i32>} : memref<128x80xf32, #tpu.memory_space<vmem>>, vector<16xf32>,
        tpu.vector_store %arg13[%swap3A_305, %swap3A_306], %mul3A_304 {strides = array<i32>} : memref<128x80xf32, #tpu.memory_space<vmem>>, vector<16xf32>,
        %get3A_308 = arith.index_cast %scan3A_277 : i32 to index
        %get3A_309 = arith.constant 64 : index
        %get3A_310 = tpu.vector_load %arg13[%get3A_308, %get3A_309] {strides = array<i32>} : memref<128x80xf32, #tpu.memory_space<vmem>>, vector<16xf32>,
        %mul3A_311 = arith.mulf %get3A_310, %gather3A_279 : vector<16xf32>
        %swap3A_312 = arith.index_cast %scan3A_277 : i32 to index
        %swap3A_313 = arith.constant 64 : index
        %swap3A_314 = tpu.vector_load %arg13[%swap3A_312, %swap3A_313] {strides = array<i32>} : memref<128x80xf32, #tpu.memory_space<vmem>>, vector<16xf32>,
        tpu.vector_store %arg13[%swap3A_312, %swap3A_313], %mul3A_311 {strides = array<i32>} : memref<128x80xf32, #tpu.memory_space<vmem>>, vector<16xf32>,
      }
      %scan3A_276 = arith.constant 128 : i32
      "tpu.region"() ({
        %run_scoped3A = tpu.sem_alloc : memref<!tpu.dma_semaphore, #tpu.memory_space<semaphore_mem>>
        %dma_start3A_277 = arith.constant 0 : i32
        %dma_start3A_278 = arith.constant 0 : i32
        %dma_start3A_279 = tpu.memref_slice %arg14[%dma_start3A_277, %dma_start3A_278] : memref<10048x80xf32, #tpu.memory_space<vmem_shared>> -> memref<10048x80xf32, #tpu.memory_space<vmem_shared>>
        tpu.enqueue_indirect_dma source(%arg13 : memref<128x80xf32, #tpu.memory_space<vmem>>) target(%dma_start3A_279 : memref<10048x80xf32, #tpu.memory_space<vmem_shared>>) offsets(%arg11 : memref<128xi32, #tpu.memory_space<vmem>>) semaphore(%run_scoped3A : memref<!tpu.dma_semaphore, #tpu.memory_space<semaphore_mem>>) {add = true}
        %dma_wait3A_280 = arith.constant 0 : i32
        %dma_wait3A_281 = arith.constant 0 : i32
        %dma_wait3A_282 = tpu.memref_slice %arg14[%dma_wait3A_280, %dma_wait3A_281] : memref<10048x80xf32, #tpu.memory_space<vmem_shared>> -> memref<10048x80xf32, #tpu.memory_space<vmem_shared>>
        tpu.wait_indirect_dma semaphore(%run_scoped3A : memref<!tpu.dma_semaphore, #tpu.memory_space<semaphore_mem>>) src(%arg13 : memref<128x80xf32, #tpu.memory_space<vmem>>) dst(%dma_wait3A_282 : memref<10048x80xf32, #tpu.memory_space<vmem_shared>>)
        tpu.yield
      }) : () -> ()
    }
    %scan3A_36 = arith.constant 81 : i32
    %barrier3A_37 = arith.constant 0 : index
    tpu.barrier barrier_id(%barrier3A_37)
    %mul3A_38 = arith.constant 628 : i32
    %mul3A_39 = arith.muli %arg1, %mul3A_38 : i32
    %mul3A_40 = arith.constant 10048 : i32
    %mul3A_41 = arith.muli %arg0, %mul3A_40 : i32
    %mul3A_42 = arith.constant 628 : i32
    %mul3A_43 = arith.muli %arg1, %mul3A_42 : i32
    %add3A_44 = arith.addi %mul3A_41, %mul3A_43 : i32
    "tpu.region"() ({
      %run_scoped3A = tpu.sem_alloc : memref<!tpu.dma_semaphore, #tpu.memory_space<semaphore_mem>>
      %dma_start3A = arith.constant 0 : i32
      %dma_start3A_45 = tpu.memref_slice %arg7[%add3A_44, %dma_start3A] : memref<20096x80xf32, #tpu.memory_space<hbm>> -> memref<628x80xf32, #tpu.memory_space<hbm>>
      %dma_start3A_46 = arith.constant 0 : i32
      %dma_start3A_47 = tpu.memref_slice %arg14[%mul3A_39, %dma_start3A_46] : memref<10048x80xf32, #tpu.memory_space<vmem_shared>> -> memref<628x80xf32, #tpu.memory_space<vmem_shared>>
      tpu.enqueue_dma source(%dma_start3A_47 : memref<628x80xf32, #tpu.memory_space<vmem_shared>>) target(%dma_start3A_45 : memref<628x80xf32, #tpu.memory_space<hbm>>) target_semaphore(%run_scoped3A : memref<!tpu.dma_semaphore, #tpu.memory_space<semaphore_mem>>)
      %dma_wait3A = arith.constant 0 : i32
      %dma_wait3A_48 = tpu.memref_slice %arg7[%add3A_44, %dma_wait3A] : memref<20096x80xf32, #tpu.memory_space<hbm>> -> memref<628x80xf32, #tpu.memory_space<hbm>>
      %dma_wait3A_49 = arith.constant 0 : i32
      %dma_wait3A_50 = tpu.memref_slice %arg14[%mul3A_39, %dma_wait3A_49] : memref<10048x80xf32, #tpu.memory_space<vmem_shared>> -> memref<628x80xf32, #tpu.memory_space<vmem_shared>>
      tpu.wait_dma2 semaphore(%run_scoped3A : memref<!tpu.dma_semaphore, #tpu.memory_space<semaphore_mem>>) src(%dma_wait3A_50 : memref<628x80xf32, #tpu.memory_space<vmem_shared>>) dst(%dma_wait3A_48 : memref<628x80xf32, #tpu.memory_space<hbm>>)
      tpu.yield
    }) : () -> ()
    return
  }
}

#map = affine_map<(d0, d1) -> (0, 0)>
#map1 = affine_map<(d0, d1) -> (0)>
module attributes {stable_mosaic.version = 14 : i64} {
  func.func @body(%arg0: i32, %arg1: i32, %arg2: memref<20000x144xf32, #tpu.memory_space<hbm>>, %arg3: memref<663552xi32, #tpu.memory_space<hbm>>, %arg4: memref<331776xi32, #tpu.memory_space<hbm>>, %arg5: memref<20000xf32, #tpu.memory_space<hbm>>, %arg6: memref<20000xf32, #tpu.memory_space<hbm>>, %arg7: memref<20096x144xf32, #tpu.memory_space<hbm>>, %arg8: memref<10048xf32, #tpu.memory_space<vmem>>, %arg9: memref<10048xf32, #tpu.memory_space<vmem>>, %arg10: memref<128xi32, #tpu.memory_space<vmem>>, %arg11: memref<128xi32, #tpu.memory_space<vmem>>, %arg12: memref<128xf32, #tpu.memory_space<vmem>>, %arg13: memref<128x144xf32, #tpu.memory_space<vmem>>, %arg14: memref<10048x144xf32, #tpu.memory_space<vmem_shared>>, %arg15: memref<!tpu.dma_semaphore, #tpu.memory_space<semaphore_mem>>) attributes {dimension_semantics = [#tpu.dimension_semantics<core_parallel>, #tpu.dimension_semantics<subcore_parallel>], iteration_bounds = array<i64: 2, 16>, scalar_prefetch = 0 : i64, scratch_operands = 8 : i64, tpu.core_type = #tpu.core_type<sc_vector_subcore>, window_params = [{transform_indices = #map}, {transform_indices = #map1}, {transform_indices = #map1}, {transform_indices = #map1}, {transform_indices = #map1}, {transform_indices = #map}]} {
    %mul3A = arith.constant 10000 : i32
    %mul3A_0 = arith.muli %arg0, %mul3A : i32
    "tpu.region"() ({
      %run_scoped3A = tpu.sem_alloc : memref<!tpu.dma_semaphore, #tpu.memory_space<semaphore_mem>>
      %dma_start3A = arith.constant 0 : i32
      %dma_start3A_45 = tpu.memref_slice %arg8[%dma_start3A] : memref<10048xf32, #tpu.memory_space<vmem>> -> memref<10000xf32, #tpu.memory_space<vmem>>
      %dma_start3A_46 = tpu.memref_slice %arg5[%mul3A_0] : memref<20000xf32, #tpu.memory_space<hbm>> -> memref<10000xf32, #tpu.memory_space<hbm>>
      %dma_start3A_47 = arith.constant 0 : i32
      %dma_start3A_48 = tpu.memref_slice %arg8[%dma_start3A_47] : memref<10048xf32, #tpu.memory_space<vmem>> -> memref<10000xf32, #tpu.memory_space<vmem>>
      %dma_start3A_49 = tpu.memref_slice %arg5[%mul3A_0] : memref<20000xf32, #tpu.memory_space<hbm>> -> memref<10000xf32, #tpu.memory_space<hbm>>
      tpu.enqueue_dma source(%dma_start3A_49 : memref<10000xf32, #tpu.memory_space<hbm>>) target(%dma_start3A_48 : memref<10000xf32, #tpu.memory_space<vmem>>) target_semaphore(%run_scoped3A : memref<!tpu.dma_semaphore, #tpu.memory_space<semaphore_mem>>)
      %dma_wait3A = arith.constant 0 : i32
      %dma_wait3A_50 = tpu.memref_slice %arg8[%dma_wait3A] : memref<10048xf32, #tpu.memory_space<vmem>> -> memref<10000xf32, #tpu.memory_space<vmem>>
      %dma_wait3A_51 = tpu.memref_slice %arg5[%mul3A_0] : memref<20000xf32, #tpu.memory_space<hbm>> -> memref<10000xf32, #tpu.memory_space<hbm>>
      %dma_wait3A_52 = arith.constant 0 : i32
      %dma_wait3A_53 = tpu.memref_slice %arg8[%dma_wait3A_52] : memref<10048xf32, #tpu.memory_space<vmem>> -> memref<10000xf32, #tpu.memory_space<vmem>>
      %dma_wait3A_54 = tpu.memref_slice %arg5[%mul3A_0] : memref<20000xf32, #tpu.memory_space<hbm>> -> memref<10000xf32, #tpu.memory_space<hbm>>
      tpu.wait_dma2 semaphore(%run_scoped3A : memref<!tpu.dma_semaphore, #tpu.memory_space<semaphore_mem>>) src(%dma_wait3A_54 : memref<10000xf32, #tpu.memory_space<hbm>>) dst(%dma_wait3A_53 : memref<10000xf32, #tpu.memory_space<vmem>>)
      tpu.yield
    }) : () -> ()
    "tpu.region"() ({
      %run_scoped3A = tpu.sem_alloc : memref<!tpu.dma_semaphore, #tpu.memory_space<semaphore_mem>>
      %dma_start3A = arith.constant 0 : i32
      %dma_start3A_45 = tpu.memref_slice %arg9[%dma_start3A] : memref<10048xf32, #tpu.memory_space<vmem>> -> memref<10000xf32, #tpu.memory_space<vmem>>
      %dma_start3A_46 = tpu.memref_slice %arg6[%mul3A_0] : memref<20000xf32, #tpu.memory_space<hbm>> -> memref<10000xf32, #tpu.memory_space<hbm>>
      %dma_start3A_47 = arith.constant 0 : i32
      %dma_start3A_48 = tpu.memref_slice %arg9[%dma_start3A_47] : memref<10048xf32, #tpu.memory_space<vmem>> -> memref<10000xf32, #tpu.memory_space<vmem>>
      %dma_start3A_49 = tpu.memref_slice %arg6[%mul3A_0] : memref<20000xf32, #tpu.memory_space<hbm>> -> memref<10000xf32, #tpu.memory_space<hbm>>
      tpu.enqueue_dma source(%dma_start3A_49 : memref<10000xf32, #tpu.memory_space<hbm>>) target(%dma_start3A_48 : memref<10000xf32, #tpu.memory_space<vmem>>) target_semaphore(%run_scoped3A : memref<!tpu.dma_semaphore, #tpu.memory_space<semaphore_mem>>)
      %dma_wait3A = arith.constant 0 : i32
      %dma_wait3A_50 = tpu.memref_slice %arg9[%dma_wait3A] : memref<10048xf32, #tpu.memory_space<vmem>> -> memref<10000xf32, #tpu.memory_space<vmem>>
      %dma_wait3A_51 = tpu.memref_slice %arg6[%mul3A_0] : memref<20000xf32, #tpu.memory_space<hbm>> -> memref<10000xf32, #tpu.memory_space<hbm>>
      %dma_wait3A_52 = arith.constant 0 : i32
      %dma_wait3A_53 = tpu.memref_slice %arg9[%dma_wait3A_52] : memref<10048xf32, #tpu.memory_space<vmem>> -> memref<10000xf32, #tpu.memory_space<vmem>>
      %dma_wait3A_54 = tpu.memref_slice %arg6[%mul3A_0] : memref<20000xf32, #tpu.memory_space<hbm>> -> memref<10000xf32, #tpu.memory_space<hbm>>
      tpu.wait_dma2 semaphore(%run_scoped3A : memref<!tpu.dma_semaphore, #tpu.memory_space<semaphore_mem>>) src(%dma_wait3A_54 : memref<10000xf32, #tpu.memory_space<hbm>>) dst(%dma_wait3A_53 : memref<10000xf32, #tpu.memory_space<vmem>>)
      tpu.yield
    }) : () -> ()
    %broadcast_in_dim3A = arith.constant 0.000000e+00 : f32
    %broadcast_in_dim3A_1 = vector.broadcast %broadcast_in_dim3A : f32 to vector<16xf32>
    %scan3A = arith.constant 0 : i32
    %scan3A_2 = arith.constant 0 : i32
    %scan3A_3 = arith.constant 128 : i32
    %scan3A_4 = arith.addi %scan3A_2, %scan3A_3 : i32
    %scan3A_5 = arith.constant 1 : i32
    scf.for %scan3A_45 = %scan3A_2 to %scan3A_4 step %scan3A_5  : i32 {
      %swap3A = arith.index_cast %scan3A_45 : i32 to index
      %swap3A_46 = arith.constant 0 : index
      %swap3A_47 = tpu.vector_load %arg13[%swap3A, %swap3A_46] {strides = array<i32>} : memref<128x144xf32, #tpu.memory_space<vmem>>, vector<16xf32>,
      tpu.vector_store %arg13[%swap3A, %swap3A_46], %broadcast_in_dim3A_1 {strides = array<i32>} : memref<128x144xf32, #tpu.memory_space<vmem>>, vector<16xf32>,
      %swap3A_48 = arith.index_cast %scan3A_45 : i32 to index
      %swap3A_49 = arith.constant 16 : index
      %swap3A_50 = tpu.vector_load %arg13[%swap3A_48, %swap3A_49] {strides = array<i32>} : memref<128x144xf32, #tpu.memory_space<vmem>>, vector<16xf32>,
      tpu.vector_store %arg13[%swap3A_48, %swap3A_49], %broadcast_in_dim3A_1 {strides = array<i32>} : memref<128x144xf32, #tpu.memory_space<vmem>>, vector<16xf32>,
      %swap3A_51 = arith.index_cast %scan3A_45 : i32 to index
      %swap3A_52 = arith.constant 32 : index
      %swap3A_53 = tpu.vector_load %arg13[%swap3A_51, %swap3A_52] {strides = array<i32>} : memref<128x144xf32, #tpu.memory_space<vmem>>, vector<16xf32>,
      tpu.vector_store %arg13[%swap3A_51, %swap3A_52], %broadcast_in_dim3A_1 {strides = array<i32>} : memref<128x144xf32, #tpu.memory_space<vmem>>, vector<16xf32>,
      %swap3A_54 = arith.index_cast %scan3A_45 : i32 to index
      %swap3A_55 = arith.constant 48 : index
      %swap3A_56 = tpu.vector_load %arg13[%swap3A_54, %swap3A_55] {strides = array<i32>} : memref<128x144xf32, #tpu.memory_space<vmem>>, vector<16xf32>,
      tpu.vector_store %arg13[%swap3A_54, %swap3A_55], %broadcast_in_dim3A_1 {strides = array<i32>} : memref<128x144xf32, #tpu.memory_space<vmem>>, vector<16xf32>,
      %swap3A_57 = arith.index_cast %scan3A_45 : i32 to index
      %swap3A_58 = arith.constant 64 : index
      %swap3A_59 = tpu.vector_load %arg13[%swap3A_57, %swap3A_58] {strides = array<i32>} : memref<128x144xf32, #tpu.memory_space<vmem>>, vector<16xf32>,
      tpu.vector_store %arg13[%swap3A_57, %swap3A_58], %broadcast_in_dim3A_1 {strides = array<i32>} : memref<128x144xf32, #tpu.memory_space<vmem>>, vector<16xf32>,
      %swap3A_60 = arith.index_cast %scan3A_45 : i32 to index
      %swap3A_61 = arith.constant 80 : index
      %swap3A_62 = tpu.vector_load %arg13[%swap3A_60, %swap3A_61] {strides = array<i32>} : memref<128x144xf32, #tpu.memory_space<vmem>>, vector<16xf32>,
      tpu.vector_store %arg13[%swap3A_60, %swap3A_61], %broadcast_in_dim3A_1 {strides = array<i32>} : memref<128x144xf32, #tpu.memory_space<vmem>>, vector<16xf32>,
      %swap3A_63 = arith.index_cast %scan3A_45 : i32 to index
      %swap3A_64 = arith.constant 96 : index
      %swap3A_65 = tpu.vector_load %arg13[%swap3A_63, %swap3A_64] {strides = array<i32>} : memref<128x144xf32, #tpu.memory_space<vmem>>, vector<16xf32>,
      tpu.vector_store %arg13[%swap3A_63, %swap3A_64], %broadcast_in_dim3A_1 {strides = array<i32>} : memref<128x144xf32, #tpu.memory_space<vmem>>, vector<16xf32>,
      %swap3A_66 = arith.index_cast %scan3A_45 : i32 to index
      %swap3A_67 = arith.constant 112 : index
      %swap3A_68 = tpu.vector_load %arg13[%swap3A_66, %swap3A_67] {strides = array<i32>} : memref<128x144xf32, #tpu.memory_space<vmem>>, vector<16xf32>,
      tpu.vector_store %arg13[%swap3A_66, %swap3A_67], %broadcast_in_dim3A_1 {strides = array<i32>} : memref<128x144xf32, #tpu.memory_space<vmem>>, vector<16xf32>,
      %swap3A_69 = arith.index_cast %scan3A_45 : i32 to index
      %swap3A_70 = arith.constant 128 : index
      %swap3A_71 = tpu.vector_load %arg13[%swap3A_69, %swap3A_70] {strides = array<i32>} : memref<128x144xf32, #tpu.memory_space<vmem>>, vector<16xf32>,
      tpu.vector_store %arg13[%swap3A_69, %swap3A_70], %broadcast_in_dim3A_1 {strides = array<i32>} : memref<128x144xf32, #tpu.memory_space<vmem>>, vector<16xf32>,
    }
    %scan3A_6 = arith.constant 128 : i32
    %mul3A_7 = arith.constant 628 : i32
    %mul3A_8 = arith.muli %arg1, %mul3A_7 : i32
    %add3A = arith.constant 0 : i32
    %add3A_9 = arith.addi %mul3A_8, %add3A : i32
    "tpu.region"() ({
      %run_scoped3A = tpu.sem_alloc : memref<!tpu.dma_semaphore, #tpu.memory_space<semaphore_mem>>
      %dma_start3A = arith.constant 0 : i32
      %dma_start3A_45 = tpu.memref_slice %arg14[%add3A_9, %dma_start3A] : memref<10048x144xf32, #tpu.memory_space<vmem_shared>> -> memref<128x144xf32, #tpu.memory_space<vmem_shared>>
      %dma_start3A_46 = arith.constant 0 : i32
      %dma_start3A_47 = tpu.memref_slice %arg14[%add3A_9, %dma_start3A_46] : memref<10048x144xf32, #tpu.memory_space<vmem_shared>> -> memref<128x144xf32, #tpu.memory_space<vmem_shared>>
      tpu.enqueue_dma source(%arg13 : memref<128x144xf32, #tpu.memory_space<vmem>>) target(%dma_start3A_47 : memref<128x144xf32, #tpu.memory_space<vmem_shared>>) target_semaphore(%run_scoped3A : memref<!tpu.dma_semaphore, #tpu.memory_space<semaphore_mem>>)
      %dma_wait3A = arith.constant 0 : i32
      %dma_wait3A_48 = tpu.memref_slice %arg14[%add3A_9, %dma_wait3A] : memref<10048x144xf32, #tpu.memory_space<vmem_shared>> -> memref<128x144xf32, #tpu.memory_space<vmem_shared>>
      %dma_wait3A_49 = arith.constant 0 : i32
      %dma_wait3A_50 = tpu.memref_slice %arg14[%add3A_9, %dma_wait3A_49] : memref<10048x144xf32, #tpu.memory_space<vmem_shared>> -> memref<128x144xf32, #tpu.memory_space<vmem_shared>>
      tpu.wait_dma2 semaphore(%run_scoped3A : memref<!tpu.dma_semaphore, #tpu.memory_space<semaphore_mem>>) src(%arg13 : memref<128x144xf32, #tpu.memory_space<vmem>>) dst(%dma_wait3A_50 : memref<128x144xf32, #tpu.memory_space<vmem_shared>>)
      tpu.yield
    }) : () -> ()
    %mul3A_10 = arith.constant 628 : i32
    %mul3A_11 = arith.muli %arg1, %mul3A_10 : i32
    %add3A_12 = arith.constant 128 : i32
    %add3A_13 = arith.addi %mul3A_11, %add3A_12 : i32
    "tpu.region"() ({
      %run_scoped3A = tpu.sem_alloc : memref<!tpu.dma_semaphore, #tpu.memory_space<semaphore_mem>>
      %dma_start3A = arith.constant 0 : i32
      %dma_start3A_45 = tpu.memref_slice %arg14[%add3A_13, %dma_start3A] : memref<10048x144xf32, #tpu.memory_space<vmem_shared>> -> memref<128x144xf32, #tpu.memory_space<vmem_shared>>
      %dma_start3A_46 = arith.constant 0 : i32
      %dma_start3A_47 = tpu.memref_slice %arg14[%add3A_13, %dma_start3A_46] : memref<10048x144xf32, #tpu.memory_space<vmem_shared>> -> memref<128x144xf32, #tpu.memory_space<vmem_shared>>
      tpu.enqueue_dma source(%arg13 : memref<128x144xf32, #tpu.memory_space<vmem>>) target(%dma_start3A_47 : memref<128x144xf32, #tpu.memory_space<vmem_shared>>) target_semaphore(%run_scoped3A : memref<!tpu.dma_semaphore, #tpu.memory_space<semaphore_mem>>)
      %dma_wait3A = arith.constant 0 : i32
      %dma_wait3A_48 = tpu.memref_slice %arg14[%add3A_13, %dma_wait3A] : memref<10048x144xf32, #tpu.memory_space<vmem_shared>> -> memref<128x144xf32, #tpu.memory_space<vmem_shared>>
      %dma_wait3A_49 = arith.constant 0 : i32
      %dma_wait3A_50 = tpu.memref_slice %arg14[%add3A_13, %dma_wait3A_49] : memref<10048x144xf32, #tpu.memory_space<vmem_shared>> -> memref<128x144xf32, #tpu.memory_space<vmem_shared>>
      tpu.wait_dma2 semaphore(%run_scoped3A : memref<!tpu.dma_semaphore, #tpu.memory_space<semaphore_mem>>) src(%arg13 : memref<128x144xf32, #tpu.memory_space<vmem>>) dst(%dma_wait3A_50 : memref<128x144xf32, #tpu.memory_space<vmem_shared>>)
      tpu.yield
    }) : () -> ()
    %mul3A_14 = arith.constant 628 : i32
    %mul3A_15 = arith.muli %arg1, %mul3A_14 : i32
    %add3A_16 = arith.constant 256 : i32
    %add3A_17 = arith.addi %mul3A_15, %add3A_16 : i32
    "tpu.region"() ({
      %run_scoped3A = tpu.sem_alloc : memref<!tpu.dma_semaphore, #tpu.memory_space<semaphore_mem>>
      %dma_start3A = arith.constant 0 : i32
      %dma_start3A_45 = tpu.memref_slice %arg14[%add3A_17, %dma_start3A] : memref<10048x144xf32, #tpu.memory_space<vmem_shared>> -> memref<128x144xf32, #tpu.memory_space<vmem_shared>>
      %dma_start3A_46 = arith.constant 0 : i32
      %dma_start3A_47 = tpu.memref_slice %arg14[%add3A_17, %dma_start3A_46] : memref<10048x144xf32, #tpu.memory_space<vmem_shared>> -> memref<128x144xf32, #tpu.memory_space<vmem_shared>>
      tpu.enqueue_dma source(%arg13 : memref<128x144xf32, #tpu.memory_space<vmem>>) target(%dma_start3A_47 : memref<128x144xf32, #tpu.memory_space<vmem_shared>>) target_semaphore(%run_scoped3A : memref<!tpu.dma_semaphore, #tpu.memory_space<semaphore_mem>>)
      %dma_wait3A = arith.constant 0 : i32
      %dma_wait3A_48 = tpu.memref_slice %arg14[%add3A_17, %dma_wait3A] : memref<10048x144xf32, #tpu.memory_space<vmem_shared>> -> memref<128x144xf32, #tpu.memory_space<vmem_shared>>
      %dma_wait3A_49 = arith.constant 0 : i32
      %dma_wait3A_50 = tpu.memref_slice %arg14[%add3A_17, %dma_wait3A_49] : memref<10048x144xf32, #tpu.memory_space<vmem_shared>> -> memref<128x144xf32, #tpu.memory_space<vmem_shared>>
      tpu.wait_dma2 semaphore(%run_scoped3A : memref<!tpu.dma_semaphore, #tpu.memory_space<semaphore_mem>>) src(%arg13 : memref<128x144xf32, #tpu.memory_space<vmem>>) dst(%dma_wait3A_50 : memref<128x144xf32, #tpu.memory_space<vmem_shared>>)
      tpu.yield
    }) : () -> ()
    %mul3A_18 = arith.constant 628 : i32
    %mul3A_19 = arith.muli %arg1, %mul3A_18 : i32
    %add3A_20 = arith.constant 384 : i32
    %add3A_21 = arith.addi %mul3A_19, %add3A_20 : i32
    "tpu.region"() ({
      %run_scoped3A = tpu.sem_alloc : memref<!tpu.dma_semaphore, #tpu.memory_space<semaphore_mem>>
      %dma_start3A = arith.constant 0 : i32
      %dma_start3A_45 = tpu.memref_slice %arg14[%add3A_21, %dma_start3A] : memref<10048x144xf32, #tpu.memory_space<vmem_shared>> -> memref<128x144xf32, #tpu.memory_space<vmem_shared>>
      %dma_start3A_46 = arith.constant 0 : i32
      %dma_start3A_47 = tpu.memref_slice %arg14[%add3A_21, %dma_start3A_46] : memref<10048x144xf32, #tpu.memory_space<vmem_shared>> -> memref<128x144xf32, #tpu.memory_space<vmem_shared>>
      tpu.enqueue_dma source(%arg13 : memref<128x144xf32, #tpu.memory_space<vmem>>) target(%dma_start3A_47 : memref<128x144xf32, #tpu.memory_space<vmem_shared>>) target_semaphore(%run_scoped3A : memref<!tpu.dma_semaphore, #tpu.memory_space<semaphore_mem>>)
      %dma_wait3A = arith.constant 0 : i32
      %dma_wait3A_48 = tpu.memref_slice %arg14[%add3A_21, %dma_wait3A] : memref<10048x144xf32, #tpu.memory_space<vmem_shared>> -> memref<128x144xf32, #tpu.memory_space<vmem_shared>>
      %dma_wait3A_49 = arith.constant 0 : i32
      %dma_wait3A_50 = tpu.memref_slice %arg14[%add3A_21, %dma_wait3A_49] : memref<10048x144xf32, #tpu.memory_space<vmem_shared>> -> memref<128x144xf32, #tpu.memory_space<vmem_shared>>
      tpu.wait_dma2 semaphore(%run_scoped3A : memref<!tpu.dma_semaphore, #tpu.memory_space<semaphore_mem>>) src(%arg13 : memref<128x144xf32, #tpu.memory_space<vmem>>) dst(%dma_wait3A_50 : memref<128x144xf32, #tpu.memory_space<vmem_shared>>)
      tpu.yield
    }) : () -> ()
    %mul3A_22 = arith.constant 628 : i32
    %mul3A_23 = arith.muli %arg1, %mul3A_22 : i32
    %add3A_24 = arith.constant 512 : i32
    %add3A_25 = arith.addi %mul3A_23, %add3A_24 : i32
    "tpu.region"() ({
      %run_scoped3A = tpu.sem_alloc : memref<!tpu.dma_semaphore, #tpu.memory_space<semaphore_mem>>
      %dma_start3A = arith.constant 0 : i32
      %dma_start3A_45 = arith.constant 0 : i32
      %dma_start3A_46 = tpu.memref_slice %arg13[%dma_start3A, %dma_start3A_45] : memref<128x144xf32, #tpu.memory_space<vmem>> -> memref<116x144xf32, #tpu.memory_space<vmem>>
      %dma_start3A_47 = arith.constant 0 : i32
      %dma_start3A_48 = tpu.memref_slice %arg14[%add3A_25, %dma_start3A_47] : memref<10048x144xf32, #tpu.memory_space<vmem_shared>> -> memref<116x144xf32, #tpu.memory_space<vmem_shared>>
      %dma_start3A_49 = arith.constant 0 : i32
      %dma_start3A_50 = tpu.memref_slice %arg14[%add3A_25, %dma_start3A_49] : memref<10048x144xf32, #tpu.memory_space<vmem_shared>> -> memref<116x144xf32, #tpu.memory_space<vmem_shared>>
      %dma_start3A_51 = arith.constant 0 : i32
      %dma_start3A_52 = arith.constant 0 : i32
      %dma_start3A_53 = tpu.memref_slice %arg13[%dma_start3A_51, %dma_start3A_52] : memref<128x144xf32, #tpu.memory_space<vmem>> -> memref<116x144xf32, #tpu.memory_space<vmem>>
      tpu.enqueue_dma source(%dma_start3A_53 : memref<116x144xf32, #tpu.memory_space<vmem>>) target(%dma_start3A_50 : memref<116x144xf32, #tpu.memory_space<vmem_shared>>) target_semaphore(%run_scoped3A : memref<!tpu.dma_semaphore, #tpu.memory_space<semaphore_mem>>)
      %dma_wait3A = arith.constant 0 : i32
      %dma_wait3A_54 = arith.constant 0 : i32
      %dma_wait3A_55 = tpu.memref_slice %arg13[%dma_wait3A, %dma_wait3A_54] : memref<128x144xf32, #tpu.memory_space<vmem>> -> memref<116x144xf32, #tpu.memory_space<vmem>>
      %dma_wait3A_56 = arith.constant 0 : i32
      %dma_wait3A_57 = tpu.memref_slice %arg14[%add3A_25, %dma_wait3A_56] : memref<10048x144xf32, #tpu.memory_space<vmem_shared>> -> memref<116x144xf32, #tpu.memory_space<vmem_shared>>
      %dma_wait3A_58 = arith.constant 0 : i32
      %dma_wait3A_59 = tpu.memref_slice %arg14[%add3A_25, %dma_wait3A_58] : memref<10048x144xf32, #tpu.memory_space<vmem_shared>> -> memref<116x144xf32, #tpu.memory_space<vmem_shared>>
      %dma_wait3A_60 = arith.constant 0 : i32
      %dma_wait3A_61 = arith.constant 0 : i32
      %dma_wait3A_62 = tpu.memref_slice %arg13[%dma_wait3A_60, %dma_wait3A_61] : memref<128x144xf32, #tpu.memory_space<vmem>> -> memref<116x144xf32, #tpu.memory_space<vmem>>
      tpu.wait_dma2 semaphore(%run_scoped3A : memref<!tpu.dma_semaphore, #tpu.memory_space<semaphore_mem>>) src(%dma_wait3A_62 : memref<116x144xf32, #tpu.memory_space<vmem>>) dst(%dma_wait3A_59 : memref<116x144xf32, #tpu.memory_space<vmem_shared>>)
      tpu.yield
    }) : () -> ()
    %barrier3A = arith.constant 0 : index
    tpu.barrier barrier_id(%barrier3A)
    %mul3A_26 = arith.constant 20736 : i32
    %mul3A_27 = arith.muli %arg1, %mul3A_26 : i32
    %mul3A_28 = arith.constant 331776 : i32
    %mul3A_29 = arith.muli %arg0, %mul3A_28 : i32
    %add3A_30 = arith.addi %mul3A_29, %mul3A_27 : i32
    %scan3A_31 = arith.constant 0 : i32
    %scan3A_32 = arith.constant 0 : i32
    %scan3A_33 = arith.constant 162 : i32
    %scan3A_34 = arith.addi %scan3A_32, %scan3A_33 : i32
    %scan3A_35 = arith.constant 1 : i32
    scf.for %scan3A_45 = %scan3A_32 to %scan3A_34 step %scan3A_35  : i32 {
      %mul3A_46 = arith.constant 128 : i32
      %mul3A_47 = arith.muli %scan3A_45, %mul3A_46 : i32
      %add3A_48 = arith.addi %mul3A_27, %mul3A_47 : i32
      %mul3A_49 = arith.constant 128 : i32
      %mul3A_50 = arith.muli %scan3A_45, %mul3A_49 : i32
      %add3A_51 = arith.addi %add3A_30, %mul3A_50 : i32
      "tpu.region"() ({
        %run_scoped3A = tpu.sem_alloc : memref<!tpu.dma_semaphore, #tpu.memory_space<semaphore_mem>>
        %dma_start3A_292 = tpu.memref_slice %arg3[%add3A_51] : memref<663552xi32, #tpu.memory_space<hbm>> -> memref<128xi32, #tpu.memory_space<hbm>>
        %dma_start3A_293 = tpu.memref_slice %arg3[%add3A_51] : memref<663552xi32, #tpu.memory_space<hbm>> -> memref<128xi32, #tpu.memory_space<hbm>>
        tpu.enqueue_dma source(%dma_start3A_293 : memref<128xi32, #tpu.memory_space<hbm>>) target(%arg10 : memref<128xi32, #tpu.memory_space<vmem>>) target_semaphore(%run_scoped3A : memref<!tpu.dma_semaphore, #tpu.memory_space<semaphore_mem>>)
        %dma_wait3A_294 = tpu.memref_slice %arg3[%add3A_51] : memref<663552xi32, #tpu.memory_space<hbm>> -> memref<128xi32, #tpu.memory_space<hbm>>
        %dma_wait3A_295 = tpu.memref_slice %arg3[%add3A_51] : memref<663552xi32, #tpu.memory_space<hbm>> -> memref<128xi32, #tpu.memory_space<hbm>>
        tpu.wait_dma2 semaphore(%run_scoped3A : memref<!tpu.dma_semaphore, #tpu.memory_space<semaphore_mem>>) src(%dma_wait3A_295 : memref<128xi32, #tpu.memory_space<hbm>>) dst(%arg10 : memref<128xi32, #tpu.memory_space<vmem>>)
        tpu.yield
      }) : () -> ()
      "tpu.region"() ({
        %run_scoped3A = tpu.sem_alloc : memref<!tpu.dma_semaphore, #tpu.memory_space<semaphore_mem>>
        %dma_start3A_292 = tpu.memref_slice %arg4[%add3A_48] : memref<331776xi32, #tpu.memory_space<hbm>> -> memref<128xi32, #tpu.memory_space<hbm>>
        %dma_start3A_293 = tpu.memref_slice %arg4[%add3A_48] : memref<331776xi32, #tpu.memory_space<hbm>> -> memref<128xi32, #tpu.memory_space<hbm>>
        tpu.enqueue_dma source(%dma_start3A_293 : memref<128xi32, #tpu.memory_space<hbm>>) target(%arg11 : memref<128xi32, #tpu.memory_space<vmem>>) target_semaphore(%run_scoped3A : memref<!tpu.dma_semaphore, #tpu.memory_space<semaphore_mem>>)
        %dma_wait3A_294 = tpu.memref_slice %arg4[%add3A_48] : memref<331776xi32, #tpu.memory_space<hbm>> -> memref<128xi32, #tpu.memory_space<hbm>>
        %dma_wait3A_295 = tpu.memref_slice %arg4[%add3A_48] : memref<331776xi32, #tpu.memory_space<hbm>> -> memref<128xi32, #tpu.memory_space<hbm>>
        tpu.wait_dma2 semaphore(%run_scoped3A : memref<!tpu.dma_semaphore, #tpu.memory_space<semaphore_mem>>) src(%dma_wait3A_295 : memref<128xi32, #tpu.memory_space<hbm>>) dst(%arg11 : memref<128xi32, #tpu.memory_space<vmem>>)
        tpu.yield
      }) : () -> ()
      %dma_start3A = arith.constant 0 : i32
      %dma_start3A_52 = arith.constant 0 : i32
      %dma_start3A_53 = tpu.memref_slice %arg2[%dma_start3A, %dma_start3A_52] : memref<20000x144xf32, #tpu.memory_space<hbm>> -> memref<20000x144xf32, #tpu.memory_space<hbm>>
      tpu.enqueue_indirect_dma source(%dma_start3A_53 : memref<20000x144xf32, #tpu.memory_space<hbm>>) target(%arg13 : memref<128x144xf32, #tpu.memory_space<vmem>>) offsets(%arg10 : memref<128xi32, #tpu.memory_space<vmem>>) semaphore(%arg15 : memref<!tpu.dma_semaphore, #tpu.memory_space<semaphore_mem>>)
      %dma_wait3A = arith.constant 0 : i32
      %dma_wait3A_54 = arith.constant 0 : i32
      %dma_wait3A_55 = tpu.memref_slice %arg2[%dma_wait3A, %dma_wait3A_54] : memref<20000x144xf32, #tpu.memory_space<hbm>> -> memref<20000x144xf32, #tpu.memory_space<hbm>>
      tpu.wait_indirect_dma semaphore(%arg15 : memref<!tpu.dma_semaphore, #tpu.memory_space<semaphore_mem>>) src(%dma_wait3A_55 : memref<20000x144xf32, #tpu.memory_space<hbm>>) dst(%arg13 : memref<128x144xf32, #tpu.memory_space<vmem>>)
      %get3A = arith.constant 0 : index
      %get3A_56 = tpu.vector_load %arg10[%get3A] {strides = array<i32>} : memref<128xi32, #tpu.memory_space<vmem>>, vector<16xi32>,
      %sub3A = vector.broadcast %mul3A_0 : i32 to vector<16xi32>
      %sub3A_57 = arith.subi %get3A_56, %sub3A : vector<16xi32>
      %get3A_58 = arith.constant 0 : index
      %get3A_59 = tpu.vector_load %arg11[%get3A_58] {strides = array<i32>} : memref<128xi32, #tpu.memory_space<vmem>>, vector<16xi32>,
      %gather3A = tpu.vector_load_idx %arg8[%sub3A_57] : memref<10048xf32, #tpu.memory_space<vmem>>[vector<16xi32>], vector<16xf32>,
      %gather3A_60 = tpu.vector_load_idx %arg9[%get3A_59] : memref<10048xf32, #tpu.memory_space<vmem>>[vector<16xi32>], vector<16xf32>,
      %add3A_61 = arith.addf %gather3A, %gather3A_60 : vector<16xf32>
      %ge3A = arith.constant 0.000000e+00 : f32
      %ge3A_62 = vector.broadcast %ge3A : f32 to vector<16xf32>
      %ge3A_63 = arith.cmpf oge, %add3A_61, %ge3A_62 : vector<16xf32>
      %mul3A_64 = arith.constant 2.000000e-01 : f32
      %mul3A_65 = vector.broadcast %mul3A_64 : f32 to vector<16xf32>
      %mul3A_66 = arith.mulf %mul3A_65, %add3A_61 : vector<16xf32>
      %select_n3A = arith.select %ge3A_63, %add3A_61, %mul3A_66 : vector<16xi1>, vector<16xf32>
      %exp3A = math.exp %select_n3A : vector<16xf32>
      %add3A_67 = arith.constant 0 : i32
      %add3A_68 = arith.addi %add3A_48, %add3A_67 : i32
      %iota3A = tpu.iota {dimensions = array<i32: 0>} : vector<16xi32>
      %add3A_69 = vector.broadcast %add3A_68 : i32 to vector<16xi32>
      %add3A_70 = arith.addi %add3A_69, %iota3A : vector<16xi32>
      %lt3A = arith.constant 330000 : i32
      %lt3A_71 = vector.broadcast %lt3A : i32 to vector<16xi32>
      %lt3A_72 = arith.cmpi slt, %add3A_70, %lt3A_71 : vector<16xi32>
      %jit3A = arith.constant 0.000000e+00 : f32
      %broadcast_in_dim3A_73 = vector.broadcast %jit3A : f32 to vector<16xf32>
      %select_n3A_74 = arith.select %lt3A_72, %exp3A, %broadcast_in_dim3A_73 : vector<16xi1>, vector<16xf32>
      %swap3A = arith.constant 0 : index
      %swap3A_75 = tpu.vector_load %arg12[%swap3A] {strides = array<i32>} : memref<128xf32, #tpu.memory_space<vmem>>, vector<16xf32>,
      tpu.vector_store %arg12[%swap3A], %select_n3A_74 {strides = array<i32>} : memref<128xf32, #tpu.memory_space<vmem>>, vector<16xf32>,
      %get3A_76 = arith.constant 16 : index
      %get3A_77 = tpu.vector_load %arg10[%get3A_76] {strides = array<i32>} : memref<128xi32, #tpu.memory_space<vmem>>, vector<16xi32>,
      %sub3A_78 = vector.broadcast %mul3A_0 : i32 to vector<16xi32>
      %sub3A_79 = arith.subi %get3A_77, %sub3A_78 : vector<16xi32>
      %get3A_80 = arith.constant 16 : index
      %get3A_81 = tpu.vector_load %arg11[%get3A_80] {strides = array<i32>} : memref<128xi32, #tpu.memory_space<vmem>>, vector<16xi32>,
      %gather3A_82 = tpu.vector_load_idx %arg8[%sub3A_79] : memref<10048xf32, #tpu.memory_space<vmem>>[vector<16xi32>], vector<16xf32>,
      %gather3A_83 = tpu.vector_load_idx %arg9[%get3A_81] : memref<10048xf32, #tpu.memory_space<vmem>>[vector<16xi32>], vector<16xf32>,
      %add3A_84 = arith.addf %gather3A_82, %gather3A_83 : vector<16xf32>
      %ge3A_85 = arith.constant 0.000000e+00 : f32
      %ge3A_86 = vector.broadcast %ge3A_85 : f32 to vector<16xf32>
      %ge3A_87 = arith.cmpf oge, %add3A_84, %ge3A_86 : vector<16xf32>
      %mul3A_88 = arith.constant 2.000000e-01 : f32
      %mul3A_89 = vector.broadcast %mul3A_88 : f32 to vector<16xf32>
      %mul3A_90 = arith.mulf %mul3A_89, %add3A_84 : vector<16xf32>
      %select_n3A_91 = arith.select %ge3A_87, %add3A_84, %mul3A_90 : vector<16xi1>, vector<16xf32>
      %exp3A_92 = math.exp %select_n3A_91 : vector<16xf32>
      %add3A_93 = arith.constant 16 : i32
      %add3A_94 = arith.addi %add3A_48, %add3A_93 : i32
      %iota3A_95 = tpu.iota {dimensions = array<i32: 0>} : vector<16xi32>
      %add3A_96 = vector.broadcast %add3A_94 : i32 to vector<16xi32>
      %add3A_97 = arith.addi %add3A_96, %iota3A_95 : vector<16xi32>
      %lt3A_98 = arith.constant 330000 : i32
      %lt3A_99 = vector.broadcast %lt3A_98 : i32 to vector<16xi32>
      %lt3A_100 = arith.cmpi slt, %add3A_97, %lt3A_99 : vector<16xi32>
      %jit3A_101 = arith.constant 0.000000e+00 : f32
      %broadcast_in_dim3A_102 = vector.broadcast %jit3A_101 : f32 to vector<16xf32>
      %select_n3A_103 = arith.select %lt3A_100, %exp3A_92, %broadcast_in_dim3A_102 : vector<16xi1>, vector<16xf32>
      %swap3A_104 = arith.constant 16 : index
      %swap3A_105 = tpu.vector_load %arg12[%swap3A_104] {strides = array<i32>} : memref<128xf32, #tpu.memory_space<vmem>>, vector<16xf32>,
      tpu.vector_store %arg12[%swap3A_104], %select_n3A_103 {strides = array<i32>} : memref<128xf32, #tpu.memory_space<vmem>>, vector<16xf32>,
      %get3A_106 = arith.constant 32 : index
      %get3A_107 = tpu.vector_load %arg10[%get3A_106] {strides = array<i32>} : memref<128xi32, #tpu.memory_space<vmem>>, vector<16xi32>,
      %sub3A_108 = vector.broadcast %mul3A_0 : i32 to vector<16xi32>
      %sub3A_109 = arith.subi %get3A_107, %sub3A_108 : vector<16xi32>
      %get3A_110 = arith.constant 32 : index
      %get3A_111 = tpu.vector_load %arg11[%get3A_110] {strides = array<i32>} : memref<128xi32, #tpu.memory_space<vmem>>, vector<16xi32>,
      %gather3A_112 = tpu.vector_load_idx %arg8[%sub3A_109] : memref<10048xf32, #tpu.memory_space<vmem>>[vector<16xi32>], vector<16xf32>,
      %gather3A_113 = tpu.vector_load_idx %arg9[%get3A_111] : memref<10048xf32, #tpu.memory_space<vmem>>[vector<16xi32>], vector<16xf32>,
      %add3A_114 = arith.addf %gather3A_112, %gather3A_113 : vector<16xf32>
      %ge3A_115 = arith.constant 0.000000e+00 : f32
      %ge3A_116 = vector.broadcast %ge3A_115 : f32 to vector<16xf32>
      %ge3A_117 = arith.cmpf oge, %add3A_114, %ge3A_116 : vector<16xf32>
      %mul3A_118 = arith.constant 2.000000e-01 : f32
      %mul3A_119 = vector.broadcast %mul3A_118 : f32 to vector<16xf32>
      %mul3A_120 = arith.mulf %mul3A_119, %add3A_114 : vector<16xf32>
      %select_n3A_121 = arith.select %ge3A_117, %add3A_114, %mul3A_120 : vector<16xi1>, vector<16xf32>
      %exp3A_122 = math.exp %select_n3A_121 : vector<16xf32>
      %add3A_123 = arith.constant 32 : i32
      %add3A_124 = arith.addi %add3A_48, %add3A_123 : i32
      %iota3A_125 = tpu.iota {dimensions = array<i32: 0>} : vector<16xi32>
      %add3A_126 = vector.broadcast %add3A_124 : i32 to vector<16xi32>
      %add3A_127 = arith.addi %add3A_126, %iota3A_125 : vector<16xi32>
      %lt3A_128 = arith.constant 330000 : i32
      %lt3A_129 = vector.broadcast %lt3A_128 : i32 to vector<16xi32>
      %lt3A_130 = arith.cmpi slt, %add3A_127, %lt3A_129 : vector<16xi32>
      %jit3A_131 = arith.constant 0.000000e+00 : f32
      %broadcast_in_dim3A_132 = vector.broadcast %jit3A_131 : f32 to vector<16xf32>
      %select_n3A_133 = arith.select %lt3A_130, %exp3A_122, %broadcast_in_dim3A_132 : vector<16xi1>, vector<16xf32>
      %swap3A_134 = arith.constant 32 : index
      %swap3A_135 = tpu.vector_load %arg12[%swap3A_134] {strides = array<i32>} : memref<128xf32, #tpu.memory_space<vmem>>, vector<16xf32>,
      tpu.vector_store %arg12[%swap3A_134], %select_n3A_133 {strides = array<i32>} : memref<128xf32, #tpu.memory_space<vmem>>, vector<16xf32>,
      %get3A_136 = arith.constant 48 : index
      %get3A_137 = tpu.vector_load %arg10[%get3A_136] {strides = array<i32>} : memref<128xi32, #tpu.memory_space<vmem>>, vector<16xi32>,
      %sub3A_138 = vector.broadcast %mul3A_0 : i32 to vector<16xi32>
      %sub3A_139 = arith.subi %get3A_137, %sub3A_138 : vector<16xi32>
      %get3A_140 = arith.constant 48 : index
      %get3A_141 = tpu.vector_load %arg11[%get3A_140] {strides = array<i32>} : memref<128xi32, #tpu.memory_space<vmem>>, vector<16xi32>,
      %gather3A_142 = tpu.vector_load_idx %arg8[%sub3A_139] : memref<10048xf32, #tpu.memory_space<vmem>>[vector<16xi32>], vector<16xf32>,
      %gather3A_143 = tpu.vector_load_idx %arg9[%get3A_141] : memref<10048xf32, #tpu.memory_space<vmem>>[vector<16xi32>], vector<16xf32>,
      %add3A_144 = arith.addf %gather3A_142, %gather3A_143 : vector<16xf32>
      %ge3A_145 = arith.constant 0.000000e+00 : f32
      %ge3A_146 = vector.broadcast %ge3A_145 : f32 to vector<16xf32>
      %ge3A_147 = arith.cmpf oge, %add3A_144, %ge3A_146 : vector<16xf32>
      %mul3A_148 = arith.constant 2.000000e-01 : f32
      %mul3A_149 = vector.broadcast %mul3A_148 : f32 to vector<16xf32>
      %mul3A_150 = arith.mulf %mul3A_149, %add3A_144 : vector<16xf32>
      %select_n3A_151 = arith.select %ge3A_147, %add3A_144, %mul3A_150 : vector<16xi1>, vector<16xf32>
      %exp3A_152 = math.exp %select_n3A_151 : vector<16xf32>
      %add3A_153 = arith.constant 48 : i32
      %add3A_154 = arith.addi %add3A_48, %add3A_153 : i32
      %iota3A_155 = tpu.iota {dimensions = array<i32: 0>} : vector<16xi32>
      %add3A_156 = vector.broadcast %add3A_154 : i32 to vector<16xi32>
      %add3A_157 = arith.addi %add3A_156, %iota3A_155 : vector<16xi32>
      %lt3A_158 = arith.constant 330000 : i32
      %lt3A_159 = vector.broadcast %lt3A_158 : i32 to vector<16xi32>
      %lt3A_160 = arith.cmpi slt, %add3A_157, %lt3A_159 : vector<16xi32>
      %jit3A_161 = arith.constant 0.000000e+00 : f32
      %broadcast_in_dim3A_162 = vector.broadcast %jit3A_161 : f32 to vector<16xf32>
      %select_n3A_163 = arith.select %lt3A_160, %exp3A_152, %broadcast_in_dim3A_162 : vector<16xi1>, vector<16xf32>
      %swap3A_164 = arith.constant 48 : index
      %swap3A_165 = tpu.vector_load %arg12[%swap3A_164] {strides = array<i32>} : memref<128xf32, #tpu.memory_space<vmem>>, vector<16xf32>,
      tpu.vector_store %arg12[%swap3A_164], %select_n3A_163 {strides = array<i32>} : memref<128xf32, #tpu.memory_space<vmem>>, vector<16xf32>,
      %get3A_166 = arith.constant 64 : index
      %get3A_167 = tpu.vector_load %arg10[%get3A_166] {strides = array<i32>} : memref<128xi32, #tpu.memory_space<vmem>>, vector<16xi32>,
      %sub3A_168 = vector.broadcast %mul3A_0 : i32 to vector<16xi32>
      %sub3A_169 = arith.subi %get3A_167, %sub3A_168 : vector<16xi32>
      %get3A_170 = arith.constant 64 : index
      %get3A_171 = tpu.vector_load %arg11[%get3A_170] {strides = array<i32>} : memref<128xi32, #tpu.memory_space<vmem>>, vector<16xi32>,
      %gather3A_172 = tpu.vector_load_idx %arg8[%sub3A_169] : memref<10048xf32, #tpu.memory_space<vmem>>[vector<16xi32>], vector<16xf32>,
      %gather3A_173 = tpu.vector_load_idx %arg9[%get3A_171] : memref<10048xf32, #tpu.memory_space<vmem>>[vector<16xi32>], vector<16xf32>,
      %add3A_174 = arith.addf %gather3A_172, %gather3A_173 : vector<16xf32>
      %ge3A_175 = arith.constant 0.000000e+00 : f32
      %ge3A_176 = vector.broadcast %ge3A_175 : f32 to vector<16xf32>
      %ge3A_177 = arith.cmpf oge, %add3A_174, %ge3A_176 : vector<16xf32>
      %mul3A_178 = arith.constant 2.000000e-01 : f32
      %mul3A_179 = vector.broadcast %mul3A_178 : f32 to vector<16xf32>
      %mul3A_180 = arith.mulf %mul3A_179, %add3A_174 : vector<16xf32>
      %select_n3A_181 = arith.select %ge3A_177, %add3A_174, %mul3A_180 : vector<16xi1>, vector<16xf32>
      %exp3A_182 = math.exp %select_n3A_181 : vector<16xf32>
      %add3A_183 = arith.constant 64 : i32
      %add3A_184 = arith.addi %add3A_48, %add3A_183 : i32
      %iota3A_185 = tpu.iota {dimensions = array<i32: 0>} : vector<16xi32>
      %add3A_186 = vector.broadcast %add3A_184 : i32 to vector<16xi32>
      %add3A_187 = arith.addi %add3A_186, %iota3A_185 : vector<16xi32>
      %lt3A_188 = arith.constant 330000 : i32
      %lt3A_189 = vector.broadcast %lt3A_188 : i32 to vector<16xi32>
      %lt3A_190 = arith.cmpi slt, %add3A_187, %lt3A_189 : vector<16xi32>
      %jit3A_191 = arith.constant 0.000000e+00 : f32
      %broadcast_in_dim3A_192 = vector.broadcast %jit3A_191 : f32 to vector<16xf32>
      %select_n3A_193 = arith.select %lt3A_190, %exp3A_182, %broadcast_in_dim3A_192 : vector<16xi1>, vector<16xf32>
      %swap3A_194 = arith.constant 64 : index
      %swap3A_195 = tpu.vector_load %arg12[%swap3A_194] {strides = array<i32>} : memref<128xf32, #tpu.memory_space<vmem>>, vector<16xf32>,
      tpu.vector_store %arg12[%swap3A_194], %select_n3A_193 {strides = array<i32>} : memref<128xf32, #tpu.memory_space<vmem>>, vector<16xf32>,
      %get3A_196 = arith.constant 80 : index
      %get3A_197 = tpu.vector_load %arg10[%get3A_196] {strides = array<i32>} : memref<128xi32, #tpu.memory_space<vmem>>, vector<16xi32>,
      %sub3A_198 = vector.broadcast %mul3A_0 : i32 to vector<16xi32>
      %sub3A_199 = arith.subi %get3A_197, %sub3A_198 : vector<16xi32>
      %get3A_200 = arith.constant 80 : index
      %get3A_201 = tpu.vector_load %arg11[%get3A_200] {strides = array<i32>} : memref<128xi32, #tpu.memory_space<vmem>>, vector<16xi32>,
      %gather3A_202 = tpu.vector_load_idx %arg8[%sub3A_199] : memref<10048xf32, #tpu.memory_space<vmem>>[vector<16xi32>], vector<16xf32>,
      %gather3A_203 = tpu.vector_load_idx %arg9[%get3A_201] : memref<10048xf32, #tpu.memory_space<vmem>>[vector<16xi32>], vector<16xf32>,
      %add3A_204 = arith.addf %gather3A_202, %gather3A_203 : vector<16xf32>
      %ge3A_205 = arith.constant 0.000000e+00 : f32
      %ge3A_206 = vector.broadcast %ge3A_205 : f32 to vector<16xf32>
      %ge3A_207 = arith.cmpf oge, %add3A_204, %ge3A_206 : vector<16xf32>
      %mul3A_208 = arith.constant 2.000000e-01 : f32
      %mul3A_209 = vector.broadcast %mul3A_208 : f32 to vector<16xf32>
      %mul3A_210 = arith.mulf %mul3A_209, %add3A_204 : vector<16xf32>
      %select_n3A_211 = arith.select %ge3A_207, %add3A_204, %mul3A_210 : vector<16xi1>, vector<16xf32>
      %exp3A_212 = math.exp %select_n3A_211 : vector<16xf32>
      %add3A_213 = arith.constant 80 : i32
      %add3A_214 = arith.addi %add3A_48, %add3A_213 : i32
      %iota3A_215 = tpu.iota {dimensions = array<i32: 0>} : vector<16xi32>
      %add3A_216 = vector.broadcast %add3A_214 : i32 to vector<16xi32>
      %add3A_217 = arith.addi %add3A_216, %iota3A_215 : vector<16xi32>
      %lt3A_218 = arith.constant 330000 : i32
      %lt3A_219 = vector.broadcast %lt3A_218 : i32 to vector<16xi32>
      %lt3A_220 = arith.cmpi slt, %add3A_217, %lt3A_219 : vector<16xi32>
      %jit3A_221 = arith.constant 0.000000e+00 : f32
      %broadcast_in_dim3A_222 = vector.broadcast %jit3A_221 : f32 to vector<16xf32>
      %select_n3A_223 = arith.select %lt3A_220, %exp3A_212, %broadcast_in_dim3A_222 : vector<16xi1>, vector<16xf32>
      %swap3A_224 = arith.constant 80 : index
      %swap3A_225 = tpu.vector_load %arg12[%swap3A_224] {strides = array<i32>} : memref<128xf32, #tpu.memory_space<vmem>>, vector<16xf32>,
      tpu.vector_store %arg12[%swap3A_224], %select_n3A_223 {strides = array<i32>} : memref<128xf32, #tpu.memory_space<vmem>>, vector<16xf32>,
      %get3A_226 = arith.constant 96 : index
      %get3A_227 = tpu.vector_load %arg10[%get3A_226] {strides = array<i32>} : memref<128xi32, #tpu.memory_space<vmem>>, vector<16xi32>,
      %sub3A_228 = vector.broadcast %mul3A_0 : i32 to vector<16xi32>
      %sub3A_229 = arith.subi %get3A_227, %sub3A_228 : vector<16xi32>
      %get3A_230 = arith.constant 96 : index
      %get3A_231 = tpu.vector_load %arg11[%get3A_230] {strides = array<i32>} : memref<128xi32, #tpu.memory_space<vmem>>, vector<16xi32>,
      %gather3A_232 = tpu.vector_load_idx %arg8[%sub3A_229] : memref<10048xf32, #tpu.memory_space<vmem>>[vector<16xi32>], vector<16xf32>,
      %gather3A_233 = tpu.vector_load_idx %arg9[%get3A_231] : memref<10048xf32, #tpu.memory_space<vmem>>[vector<16xi32>], vector<16xf32>,
      %add3A_234 = arith.addf %gather3A_232, %gather3A_233 : vector<16xf32>
      %ge3A_235 = arith.constant 0.000000e+00 : f32
      %ge3A_236 = vector.broadcast %ge3A_235 : f32 to vector<16xf32>
      %ge3A_237 = arith.cmpf oge, %add3A_234, %ge3A_236 : vector<16xf32>
      %mul3A_238 = arith.constant 2.000000e-01 : f32
      %mul3A_239 = vector.broadcast %mul3A_238 : f32 to vector<16xf32>
      %mul3A_240 = arith.mulf %mul3A_239, %add3A_234 : vector<16xf32>
      %select_n3A_241 = arith.select %ge3A_237, %add3A_234, %mul3A_240 : vector<16xi1>, vector<16xf32>
      %exp3A_242 = math.exp %select_n3A_241 : vector<16xf32>
      %add3A_243 = arith.constant 96 : i32
      %add3A_244 = arith.addi %add3A_48, %add3A_243 : i32
      %iota3A_245 = tpu.iota {dimensions = array<i32: 0>} : vector<16xi32>
      %add3A_246 = vector.broadcast %add3A_244 : i32 to vector<16xi32>
      %add3A_247 = arith.addi %add3A_246, %iota3A_245 : vector<16xi32>
      %lt3A_248 = arith.constant 330000 : i32
      %lt3A_249 = vector.broadcast %lt3A_248 : i32 to vector<16xi32>
      %lt3A_250 = arith.cmpi slt, %add3A_247, %lt3A_249 : vector<16xi32>
      %jit3A_251 = arith.constant 0.000000e+00 : f32
      %broadcast_in_dim3A_252 = vector.broadcast %jit3A_251 : f32 to vector<16xf32>
      %select_n3A_253 = arith.select %lt3A_250, %exp3A_242, %broadcast_in_dim3A_252 : vector<16xi1>, vector<16xf32>
      %swap3A_254 = arith.constant 96 : index
      %swap3A_255 = tpu.vector_load %arg12[%swap3A_254] {strides = array<i32>} : memref<128xf32, #tpu.memory_space<vmem>>, vector<16xf32>,
      tpu.vector_store %arg12[%swap3A_254], %select_n3A_253 {strides = array<i32>} : memref<128xf32, #tpu.memory_space<vmem>>, vector<16xf32>,
      %get3A_256 = arith.constant 112 : index
      %get3A_257 = tpu.vector_load %arg10[%get3A_256] {strides = array<i32>} : memref<128xi32, #tpu.memory_space<vmem>>, vector<16xi32>,
      %sub3A_258 = vector.broadcast %mul3A_0 : i32 to vector<16xi32>
      %sub3A_259 = arith.subi %get3A_257, %sub3A_258 : vector<16xi32>
      %get3A_260 = arith.constant 112 : index
      %get3A_261 = tpu.vector_load %arg11[%get3A_260] {strides = array<i32>} : memref<128xi32, #tpu.memory_space<vmem>>, vector<16xi32>,
      %gather3A_262 = tpu.vector_load_idx %arg8[%sub3A_259] : memref<10048xf32, #tpu.memory_space<vmem>>[vector<16xi32>], vector<16xf32>,
      %gather3A_263 = tpu.vector_load_idx %arg9[%get3A_261] : memref<10048xf32, #tpu.memory_space<vmem>>[vector<16xi32>], vector<16xf32>,
      %add3A_264 = arith.addf %gather3A_262, %gather3A_263 : vector<16xf32>
      %ge3A_265 = arith.constant 0.000000e+00 : f32
      %ge3A_266 = vector.broadcast %ge3A_265 : f32 to vector<16xf32>
      %ge3A_267 = arith.cmpf oge, %add3A_264, %ge3A_266 : vector<16xf32>
      %mul3A_268 = arith.constant 2.000000e-01 : f32
      %mul3A_269 = vector.broadcast %mul3A_268 : f32 to vector<16xf32>
      %mul3A_270 = arith.mulf %mul3A_269, %add3A_264 : vector<16xf32>
      %select_n3A_271 = arith.select %ge3A_267, %add3A_264, %mul3A_270 : vector<16xi1>, vector<16xf32>
      %exp3A_272 = math.exp %select_n3A_271 : vector<16xf32>
      %add3A_273 = arith.constant 112 : i32
      %add3A_274 = arith.addi %add3A_48, %add3A_273 : i32
      %iota3A_275 = tpu.iota {dimensions = array<i32: 0>} : vector<16xi32>
      %add3A_276 = vector.broadcast %add3A_274 : i32 to vector<16xi32>
      %add3A_277 = arith.addi %add3A_276, %iota3A_275 : vector<16xi32>
      %lt3A_278 = arith.constant 330000 : i32
      %lt3A_279 = vector.broadcast %lt3A_278 : i32 to vector<16xi32>
      %lt3A_280 = arith.cmpi slt, %add3A_277, %lt3A_279 : vector<16xi32>
      %jit3A_281 = arith.constant 0.000000e+00 : f32
      %broadcast_in_dim3A_282 = vector.broadcast %jit3A_281 : f32 to vector<16xf32>
      %select_n3A_283 = arith.select %lt3A_280, %exp3A_272, %broadcast_in_dim3A_282 : vector<16xi1>, vector<16xf32>
      %swap3A_284 = arith.constant 112 : index
      %swap3A_285 = tpu.vector_load %arg12[%swap3A_284] {strides = array<i32>} : memref<128xf32, #tpu.memory_space<vmem>>, vector<16xf32>,
      tpu.vector_store %arg12[%swap3A_284], %select_n3A_283 {strides = array<i32>} : memref<128xf32, #tpu.memory_space<vmem>>, vector<16xf32>,
      %scan3A_286 = arith.constant 0 : i32
      %scan3A_287 = arith.constant 0 : i32
      %scan3A_288 = arith.constant 128 : i32
      %scan3A_289 = arith.addi %scan3A_287, %scan3A_288 : i32
      %scan3A_290 = arith.constant 1 : i32
      scf.for %scan3A_292 = %scan3A_287 to %scan3A_289 step %scan3A_290  : i32 {
        %broadcast_in_dim3A_293 = vector.broadcast %scan3A_292 : i32 to vector<16xi32>
        %gather3A_294 = tpu.vector_load_idx %arg12[%broadcast_in_dim3A_293] : memref<128xf32, #tpu.memory_space<vmem>>[vector<16xi32>], vector<16xf32>,
        %get3A_295 = arith.index_cast %scan3A_292 : i32 to index
        %get3A_296 = arith.constant 0 : index
        %get3A_297 = tpu.vector_load %arg13[%get3A_295, %get3A_296] {strides = array<i32>} : memref<128x144xf32, #tpu.memory_space<vmem>>, vector<16xf32>,
        %mul3A_298 = arith.mulf %get3A_297, %gather3A_294 : vector<16xf32>
        %swap3A_299 = arith.index_cast %scan3A_292 : i32 to index
        %swap3A_300 = arith.constant 0 : index
        %swap3A_301 = tpu.vector_load %arg13[%swap3A_299, %swap3A_300] {strides = array<i32>} : memref<128x144xf32, #tpu.memory_space<vmem>>, vector<16xf32>,
        tpu.vector_store %arg13[%swap3A_299, %swap3A_300], %mul3A_298 {strides = array<i32>} : memref<128x144xf32, #tpu.memory_space<vmem>>, vector<16xf32>,
        %get3A_302 = arith.index_cast %scan3A_292 : i32 to index
        %get3A_303 = arith.constant 16 : index
        %get3A_304 = tpu.vector_load %arg13[%get3A_302, %get3A_303] {strides = array<i32>} : memref<128x144xf32, #tpu.memory_space<vmem>>, vector<16xf32>,
        %mul3A_305 = arith.mulf %get3A_304, %gather3A_294 : vector<16xf32>
        %swap3A_306 = arith.index_cast %scan3A_292 : i32 to index
        %swap3A_307 = arith.constant 16 : index
        %swap3A_308 = tpu.vector_load %arg13[%swap3A_306, %swap3A_307] {strides = array<i32>} : memref<128x144xf32, #tpu.memory_space<vmem>>, vector<16xf32>,
        tpu.vector_store %arg13[%swap3A_306, %swap3A_307], %mul3A_305 {strides = array<i32>} : memref<128x144xf32, #tpu.memory_space<vmem>>, vector<16xf32>,
        %get3A_309 = arith.index_cast %scan3A_292 : i32 to index
        %get3A_310 = arith.constant 32 : index
        %get3A_311 = tpu.vector_load %arg13[%get3A_309, %get3A_310] {strides = array<i32>} : memref<128x144xf32, #tpu.memory_space<vmem>>, vector<16xf32>,
        %mul3A_312 = arith.mulf %get3A_311, %gather3A_294 : vector<16xf32>
        %swap3A_313 = arith.index_cast %scan3A_292 : i32 to index
        %swap3A_314 = arith.constant 32 : index
        %swap3A_315 = tpu.vector_load %arg13[%swap3A_313, %swap3A_314] {strides = array<i32>} : memref<128x144xf32, #tpu.memory_space<vmem>>, vector<16xf32>,
        tpu.vector_store %arg13[%swap3A_313, %swap3A_314], %mul3A_312 {strides = array<i32>} : memref<128x144xf32, #tpu.memory_space<vmem>>, vector<16xf32>,
        %get3A_316 = arith.index_cast %scan3A_292 : i32 to index
        %get3A_317 = arith.constant 48 : index
        %get3A_318 = tpu.vector_load %arg13[%get3A_316, %get3A_317] {strides = array<i32>} : memref<128x144xf32, #tpu.memory_space<vmem>>, vector<16xf32>,
        %mul3A_319 = arith.mulf %get3A_318, %gather3A_294 : vector<16xf32>
        %swap3A_320 = arith.index_cast %scan3A_292 : i32 to index
        %swap3A_321 = arith.constant 48 : index
        %swap3A_322 = tpu.vector_load %arg13[%swap3A_320, %swap3A_321] {strides = array<i32>} : memref<128x144xf32, #tpu.memory_space<vmem>>, vector<16xf32>,
        tpu.vector_store %arg13[%swap3A_320, %swap3A_321], %mul3A_319 {strides = array<i32>} : memref<128x144xf32, #tpu.memory_space<vmem>>, vector<16xf32>,
        %get3A_323 = arith.index_cast %scan3A_292 : i32 to index
        %get3A_324 = arith.constant 64 : index
        %get3A_325 = tpu.vector_load %arg13[%get3A_323, %get3A_324] {strides = array<i32>} : memref<128x144xf32, #tpu.memory_space<vmem>>, vector<16xf32>,
        %mul3A_326 = arith.mulf %get3A_325, %gather3A_294 : vector<16xf32>
        %swap3A_327 = arith.index_cast %scan3A_292 : i32 to index
        %swap3A_328 = arith.constant 64 : index
        %swap3A_329 = tpu.vector_load %arg13[%swap3A_327, %swap3A_328] {strides = array<i32>} : memref<128x144xf32, #tpu.memory_space<vmem>>, vector<16xf32>,
        tpu.vector_store %arg13[%swap3A_327, %swap3A_328], %mul3A_326 {strides = array<i32>} : memref<128x144xf32, #tpu.memory_space<vmem>>, vector<16xf32>,
        %get3A_330 = arith.index_cast %scan3A_292 : i32 to index
        %get3A_331 = arith.constant 80 : index
        %get3A_332 = tpu.vector_load %arg13[%get3A_330, %get3A_331] {strides = array<i32>} : memref<128x144xf32, #tpu.memory_space<vmem>>, vector<16xf32>,
        %mul3A_333 = arith.mulf %get3A_332, %gather3A_294 : vector<16xf32>
        %swap3A_334 = arith.index_cast %scan3A_292 : i32 to index
        %swap3A_335 = arith.constant 80 : index
        %swap3A_336 = tpu.vector_load %arg13[%swap3A_334, %swap3A_335] {strides = array<i32>} : memref<128x144xf32, #tpu.memory_space<vmem>>, vector<16xf32>,
        tpu.vector_store %arg13[%swap3A_334, %swap3A_335], %mul3A_333 {strides = array<i32>} : memref<128x144xf32, #tpu.memory_space<vmem>>, vector<16xf32>,
        %get3A_337 = arith.index_cast %scan3A_292 : i32 to index
        %get3A_338 = arith.constant 96 : index
        %get3A_339 = tpu.vector_load %arg13[%get3A_337, %get3A_338] {strides = array<i32>} : memref<128x144xf32, #tpu.memory_space<vmem>>, vector<16xf32>,
        %mul3A_340 = arith.mulf %get3A_339, %gather3A_294 : vector<16xf32>
        %swap3A_341 = arith.index_cast %scan3A_292 : i32 to index
        %swap3A_342 = arith.constant 96 : index
        %swap3A_343 = tpu.vector_load %arg13[%swap3A_341, %swap3A_342] {strides = array<i32>} : memref<128x144xf32, #tpu.memory_space<vmem>>, vector<16xf32>,
        tpu.vector_store %arg13[%swap3A_341, %swap3A_342], %mul3A_340 {strides = array<i32>} : memref<128x144xf32, #tpu.memory_space<vmem>>, vector<16xf32>,
        %get3A_344 = arith.index_cast %scan3A_292 : i32 to index
        %get3A_345 = arith.constant 112 : index
        %get3A_346 = tpu.vector_load %arg13[%get3A_344, %get3A_345] {strides = array<i32>} : memref<128x144xf32, #tpu.memory_space<vmem>>, vector<16xf32>,
        %mul3A_347 = arith.mulf %get3A_346, %gather3A_294 : vector<16xf32>
        %swap3A_348 = arith.index_cast %scan3A_292 : i32 to index
        %swap3A_349 = arith.constant 112 : index
        %swap3A_350 = tpu.vector_load %arg13[%swap3A_348, %swap3A_349] {strides = array<i32>} : memref<128x144xf32, #tpu.memory_space<vmem>>, vector<16xf32>,
        tpu.vector_store %arg13[%swap3A_348, %swap3A_349], %mul3A_347 {strides = array<i32>} : memref<128x144xf32, #tpu.memory_space<vmem>>, vector<16xf32>,
        %get3A_351 = arith.index_cast %scan3A_292 : i32 to index
        %get3A_352 = arith.constant 128 : index
        %get3A_353 = tpu.vector_load %arg13[%get3A_351, %get3A_352] {strides = array<i32>} : memref<128x144xf32, #tpu.memory_space<vmem>>, vector<16xf32>,
        %mul3A_354 = arith.mulf %get3A_353, %gather3A_294 : vector<16xf32>
        %swap3A_355 = arith.index_cast %scan3A_292 : i32 to index
        %swap3A_356 = arith.constant 128 : index
        %swap3A_357 = tpu.vector_load %arg13[%swap3A_355, %swap3A_356] {strides = array<i32>} : memref<128x144xf32, #tpu.memory_space<vmem>>, vector<16xf32>,
        tpu.vector_store %arg13[%swap3A_355, %swap3A_356], %mul3A_354 {strides = array<i32>} : memref<128x144xf32, #tpu.memory_space<vmem>>, vector<16xf32>,
      }
      %scan3A_291 = arith.constant 128 : i32
      "tpu.region"() ({
        %run_scoped3A = tpu.sem_alloc : memref<!tpu.dma_semaphore, #tpu.memory_space<semaphore_mem>>
        %dma_start3A_292 = arith.constant 0 : i32
        %dma_start3A_293 = arith.constant 0 : i32
        %dma_start3A_294 = tpu.memref_slice %arg14[%dma_start3A_292, %dma_start3A_293] : memref<10048x144xf32, #tpu.memory_space<vmem_shared>> -> memref<10048x144xf32, #tpu.memory_space<vmem_shared>>
        tpu.enqueue_indirect_dma source(%arg13 : memref<128x144xf32, #tpu.memory_space<vmem>>) target(%dma_start3A_294 : memref<10048x144xf32, #tpu.memory_space<vmem_shared>>) offsets(%arg11 : memref<128xi32, #tpu.memory_space<vmem>>) semaphore(%run_scoped3A : memref<!tpu.dma_semaphore, #tpu.memory_space<semaphore_mem>>) {add = true}
        %dma_wait3A_295 = arith.constant 0 : i32
        %dma_wait3A_296 = arith.constant 0 : i32
        %dma_wait3A_297 = tpu.memref_slice %arg14[%dma_wait3A_295, %dma_wait3A_296] : memref<10048x144xf32, #tpu.memory_space<vmem_shared>> -> memref<10048x144xf32, #tpu.memory_space<vmem_shared>>
        tpu.wait_indirect_dma semaphore(%run_scoped3A : memref<!tpu.dma_semaphore, #tpu.memory_space<semaphore_mem>>) src(%arg13 : memref<128x144xf32, #tpu.memory_space<vmem>>) dst(%dma_wait3A_297 : memref<10048x144xf32, #tpu.memory_space<vmem_shared>>)
        tpu.yield
      }) : () -> ()
    }
    %scan3A_36 = arith.constant 162 : i32
    %barrier3A_37 = arith.constant 0 : index
    tpu.barrier barrier_id(%barrier3A_37)
    %mul3A_38 = arith.constant 628 : i32
    %mul3A_39 = arith.muli %arg1, %mul3A_38 : i32
    %mul3A_40 = arith.constant 10048 : i32
    %mul3A_41 = arith.muli %arg0, %mul3A_40 : i32
    %mul3A_42 = arith.constant 628 : i32
    %mul3A_43 = arith.muli %arg1, %mul3A_42 : i32
    %add3A_44 = arith.addi %mul3A_41, %mul3A_43 : i32
    "tpu.region"() ({
      %run_scoped3A = tpu.sem_alloc : memref<!tpu.dma_semaphore, #tpu.memory_space<semaphore_mem>>
      %dma_start3A = arith.constant 0 : i32
      %dma_start3A_45 = tpu.memref_slice %arg7[%add3A_44, %dma_start3A] : memref<20096x144xf32, #tpu.memory_space<hbm>> -> memref<628x144xf32, #tpu.memory_space<hbm>>
      %dma_start3A_46 = arith.constant 0 : i32
      %dma_start3A_47 = tpu.memref_slice %arg14[%mul3A_39, %dma_start3A_46] : memref<10048x144xf32, #tpu.memory_space<vmem_shared>> -> memref<628x144xf32, #tpu.memory_space<vmem_shared>>
      tpu.enqueue_dma source(%dma_start3A_47 : memref<628x144xf32, #tpu.memory_space<vmem_shared>>) target(%dma_start3A_45 : memref<628x144xf32, #tpu.memory_space<hbm>>) target_semaphore(%run_scoped3A : memref<!tpu.dma_semaphore, #tpu.memory_space<semaphore_mem>>)
      %dma_wait3A = arith.constant 0 : i32
      %dma_wait3A_48 = tpu.memref_slice %arg7[%add3A_44, %dma_wait3A] : memref<20096x144xf32, #tpu.memory_space<hbm>> -> memref<628x144xf32, #tpu.memory_space<hbm>>
      %dma_wait3A_49 = arith.constant 0 : i32
      %dma_wait3A_50 = tpu.memref_slice %arg14[%mul3A_39, %dma_wait3A_49] : memref<10048x144xf32, #tpu.memory_space<vmem_shared>> -> memref<628x144xf32, #tpu.memory_space<vmem_shared>>
      tpu.wait_dma2 semaphore(%run_scoped3A : memref<!tpu.dma_semaphore, #tpu.memory_space<semaphore_mem>>) src(%dma_wait3A_50 : memref<628x144xf32, #tpu.memory_space<vmem_shared>>) dst(%dma_wait3A_48 : memref<628x144xf32, #tpu.memory_space<hbm>>)
      tpu.yield
    }) : () -> ()
    return
  }
}

module attributes {stable_mosaic.version = 14 : i64} {
  func.func @_tc_a_body(%arg0: i32, %arg1: memref<1000x128xf32, #tpu.memory_space<vmem>>, %arg2: memref<128x256xf32, #tpu.memory_space<vmem>>, %arg3: memref<2x128xf32, #tpu.memory_space<vmem>>, %arg4: memref<2x128xf32, #tpu.memory_space<vmem>>, %arg5: memref<2x1000x144xf32, #tpu.memory_space<vmem>>, %arg6: memref<1000x4xf32, #tpu.memory_space<vmem>>) attributes {dimension_semantics = [#tpu.dimension_semantics<arbitrary>], iteration_bounds = array<i64: 10>, scalar_prefetch = 0 : i64, scratch_operands = 0 : i64, tpu.core_type = #tpu.core_type<tc>, window_params = [{transform_indices = @transform_0, window_bounds = array<i64: 1000, 128>}, {pipeline_mode = #tpu.pipeline_mode<synchronous>, transform_indices = @transform_1, window_bounds = array<i64: 128, 256>}, {pipeline_mode = #tpu.pipeline_mode<synchronous>, transform_indices = @transform_2, window_bounds = array<i64: 2, 128>}, {pipeline_mode = #tpu.pipeline_mode<synchronous>, transform_indices = @transform_3, window_bounds = array<i64: 2, 128>}, {transform_indices = @transform_4, window_bounds = array<i64: 2, 1000, 144>}, {transform_indices = @transform_5, window_bounds = array<i64: 1000, 4>}]} {
    %get3A = arith.constant 0 : index
    %get3A_0 = arith.constant 0 : index
    %get3A_1 = vector.load %arg1[%get3A, %get3A_0] : memref<1000x128xf32, #tpu.memory_space<vmem>>, vector<1000x128xf32>
    %get3A_2 = arith.constant 0 : index
    %get3A_3 = arith.constant 0 : index
    %get3A_4 = vector.load %arg2[%get3A_2, %get3A_3] : memref<128x256xf32, #tpu.memory_space<vmem>>, vector<128x256xf32>
    %dot_general3A = arith.constant dense<0.000000e+00> : vector<1000x256xf32>
    %dot_general3A_5 = tpu.matmul %get3A_1, %get3A_4, %dot_general3A {dimension_numbers = #tpu.dot_dimension_numbers<[1], [0], [0], [1], [0, 0, 1, 1], [], []>, transpose_lhs_hint = false} : vector<1000x128xf32>, vector<128x256xf32>, vector<1000x256xf32> -> vector<1000x256xf32>
    %slice3A = vector.extract_strided_slice %dot_general3A_5 {offsets = [0, 0], sizes = [1000, 128], strides = [1, 1]} : vector<1000x256xf32> to vector<1000x128xf32>
    %slice3A_6 = vector.extract_strided_slice %dot_general3A_5 {offsets = [0, 128], sizes = [1000, 128], strides = [1, 1]} : vector<1000x256xf32> to vector<1000x128xf32>
    %iota3A = tpu.iota {dimensions = array<i32: 1>} : vector<1000x16xi32>
    %eq3A = arith.constant 0 : i32
    %eq3A_7 = vector.broadcast %eq3A : i32 to vector<1000x16xi32>
    %eq3A_8 = arith.cmpi eq, %iota3A, %eq3A_7 : vector<1000x16xi32>
    %jit3A = arith.constant 1.000000e+00 : f32
    %jit3A_9 = arith.constant 0.000000e+00 : f32
    %broadcast_in_dim3A = vector.broadcast %jit3A : f32 to vector<1000x16xf32>
    %broadcast_in_dim3A_10 = vector.broadcast %jit3A_9 : f32 to vector<1000x16xf32>
    %select_n3A = arith.select %eq3A_8, %broadcast_in_dim3A, %broadcast_in_dim3A_10 : vector<1000x16xi1>, vector<1000x16xf32>
    %concatenate3A = tpu.concatenate %slice3A, %select_n3A in 1 : vector<1000x128xf32>, vector<1000x16xf32> -> vector<1000x144xf32>
    %swap3A = arith.constant 0 : index
    %swap3A_11 = arith.constant 0 : index
    %swap3A_12 = arith.constant 0 : index
    %swap3A_13 = vector.load %arg5[%swap3A, %swap3A_11, %swap3A_12] : memref<2x1000x144xf32, #tpu.memory_space<vmem>>, vector<1x1000x144xf32>
    %swap3A_14 = vector.shape_cast %swap3A_13 : vector<1x1000x144xf32> to vector<1000x144xf32>
    %swap3A_15 = vector.shape_cast %concatenate3A : vector<1000x144xf32> to vector<1x1000x144xf32>
    tpu.vector_store %arg5[%swap3A, %swap3A_11, %swap3A_12], %swap3A_15 {strides = array<i32>} : memref<2x1000x144xf32, #tpu.memory_space<vmem>>, vector<1x1000x144xf32>,
    %concatenate3A_16 = tpu.concatenate %slice3A_6, %select_n3A in 1 : vector<1000x128xf32>, vector<1000x16xf32> -> vector<1000x144xf32>
    %swap3A_17 = arith.constant 1 : index
    %swap3A_18 = arith.constant 0 : index
    %swap3A_19 = arith.constant 0 : index
    %swap3A_20 = vector.load %arg5[%swap3A_17, %swap3A_18, %swap3A_19] : memref<2x1000x144xf32, #tpu.memory_space<vmem>>, vector<1x1000x144xf32>
    %swap3A_21 = vector.shape_cast %swap3A_20 : vector<1x1000x144xf32> to vector<1000x144xf32>
    %swap3A_22 = vector.shape_cast %concatenate3A_16 : vector<1000x144xf32> to vector<1x1000x144xf32>
    tpu.vector_store %arg5[%swap3A_17, %swap3A_18, %swap3A_19], %swap3A_22 {strides = array<i32>} : memref<2x1000x144xf32, #tpu.memory_space<vmem>>, vector<1x1000x144xf32>,
    %get3A_23 = arith.constant 0 : index
    %get3A_24 = arith.constant 0 : index
    %get3A_25 = vector.load %arg3[%get3A_23, %get3A_24] : memref<2x128xf32, #tpu.memory_space<vmem>>, vector<1x128xf32>
    %get3A_26 = vector.shape_cast %get3A_25 : vector<1x128xf32> to vector<128xf32>
    %broadcast_in_dim3A_27 = vector.shape_cast %get3A_26 : vector<128xf32> to vector<1x128xf32>
    %mul3A = vector.broadcast %broadcast_in_dim3A_27 : vector<1x128xf32> to vector<1000x128xf32>
    %mul3A_28 = arith.mulf %slice3A, %mul3A : vector<1000x128xf32>
    %reduce_sum3A = arith.constant dense<0.000000e+00> : vector<1000xf32>
    %reduce_sum3A_29 = vector.multi_reduction <add>, %mul3A_28, %reduce_sum3A [1] : vector<1000x128xf32> to vector<1000xf32>
    %get3A_30 = arith.constant 1 : index
    %get3A_31 = arith.constant 0 : index
    %get3A_32 = vector.load %arg3[%get3A_30, %get3A_31] : memref<2x128xf32, #tpu.memory_space<vmem>>, vector<1x128xf32>
    %get3A_33 = vector.shape_cast %get3A_32 : vector<1x128xf32> to vector<128xf32>
    %broadcast_in_dim3A_34 = vector.shape_cast %get3A_33 : vector<128xf32> to vector<1x128xf32>
    %mul3A_35 = vector.broadcast %broadcast_in_dim3A_34 : vector<1x128xf32> to vector<1000x128xf32>
    %mul3A_36 = arith.mulf %slice3A_6, %mul3A_35 : vector<1000x128xf32>
    %reduce_sum3A_37 = arith.constant dense<0.000000e+00> : vector<1000xf32>
    %reduce_sum3A_38 = vector.multi_reduction <add>, %mul3A_36, %reduce_sum3A_37 [1] : vector<1000x128xf32> to vector<1000xf32>
    %get3A_39 = arith.constant 0 : index
    %get3A_40 = arith.constant 0 : index
    %get3A_41 = vector.load %arg4[%get3A_39, %get3A_40] : memref<2x128xf32, #tpu.memory_space<vmem>>, vector<1x128xf32>
    %get3A_42 = vector.shape_cast %get3A_41 : vector<1x128xf32> to vector<128xf32>
    %broadcast_in_dim3A_43 = vector.shape_cast %get3A_42 : vector<128xf32> to vector<1x128xf32>
    %mul3A_44 = vector.broadcast %broadcast_in_dim3A_43 : vector<1x128xf32> to vector<1000x128xf32>
    %mul3A_45 = arith.mulf %slice3A, %mul3A_44 : vector<1000x128xf32>
    %reduce_sum3A_46 = arith.constant dense<0.000000e+00> : vector<1000xf32>
    %reduce_sum3A_47 = vector.multi_reduction <add>, %mul3A_45, %reduce_sum3A_46 [1] : vector<1000x128xf32> to vector<1000xf32>
    %get3A_48 = arith.constant 1 : index
    %get3A_49 = arith.constant 0 : index
    %get3A_50 = vector.load %arg4[%get3A_48, %get3A_49] : memref<2x128xf32, #tpu.memory_space<vmem>>, vector<1x128xf32>
    %get3A_51 = vector.shape_cast %get3A_50 : vector<1x128xf32> to vector<128xf32>
    %broadcast_in_dim3A_52 = vector.shape_cast %get3A_51 : vector<128xf32> to vector<1x128xf32>
    %mul3A_53 = vector.broadcast %broadcast_in_dim3A_52 : vector<1x128xf32> to vector<1000x128xf32>
    %mul3A_54 = arith.mulf %slice3A_6, %mul3A_53 : vector<1000x128xf32>
    %reduce_sum3A_55 = arith.constant dense<0.000000e+00> : vector<1000xf32>
    %reduce_sum3A_56 = vector.multi_reduction <add>, %mul3A_54, %reduce_sum3A_55 [1] : vector<1000x128xf32> to vector<1000xf32>
    %stack3A = vector.shape_cast %reduce_sum3A_29 : vector<1000xf32> to vector<1000x1xf32>
    %stack3A_57 = vector.shape_cast %reduce_sum3A_38 : vector<1000xf32> to vector<1000x1xf32>
    %stack3A_58 = vector.shape_cast %reduce_sum3A_47 : vector<1000xf32> to vector<1000x1xf32>
    %stack3A_59 = vector.shape_cast %reduce_sum3A_56 : vector<1000xf32> to vector<1000x1xf32>
    %stack3A_60 = tpu.concatenate %stack3A, %stack3A_57, %stack3A_58, %stack3A_59 in 1 : vector<1000x1xf32>, vector<1000x1xf32>, vector<1000x1xf32>, vector<1000x1xf32> -> vector<1000x4xf32>
    %swap3A_61 = arith.constant 0 : index
    %swap3A_62 = arith.constant 0 : index
    %swap3A_63 = vector.load %arg6[%swap3A_61, %swap3A_62] : memref<1000x4xf32, #tpu.memory_space<vmem>>, vector<1000x4xf32>
    tpu.vector_store %arg6[%swap3A_61, %swap3A_62], %stack3A_60 {strides = array<i32>} : memref<1000x4xf32, #tpu.memory_space<vmem>>, vector<1000x4xf32>,
    return
  }
  func.func @transform_0(%arg0: i32) -> (i32, i32) {
    %c0_i32 = arith.constant 0 : i32
    %c0_i32_0 = arith.constant 0 : i32
    return %arg0, %c0_i32 : i32, i32
  }
  func.func @transform_1(%arg0: i32) -> (i32, i32) {
    %c0_i32 = arith.constant 0 : i32
    %c0_i32_0 = arith.constant 0 : i32
    %c0_i32_1 = arith.constant 0 : i32
    return %c0_i32, %c0_i32_0 : i32, i32
  }
  func.func @transform_2(%arg0: i32) -> (i32, i32) {
    %c0_i32 = arith.constant 0 : i32
    %c0_i32_0 = arith.constant 0 : i32
    %c0_i32_1 = arith.constant 0 : i32
    return %c0_i32, %c0_i32_0 : i32, i32
  }
  func.func @transform_3(%arg0: i32) -> (i32, i32) {
    %c0_i32 = arith.constant 0 : i32
    %c0_i32_0 = arith.constant 0 : i32
    %c0_i32_1 = arith.constant 0 : i32
    return %c0_i32, %c0_i32_0 : i32, i32
  }
  func.func @transform_4(%arg0: i32) -> (i32, i32, i32) {
    %c0_i32 = arith.constant 0 : i32
    %c0_i32_0 = arith.constant 0 : i32
    %c0_i32_1 = arith.constant 0 : i32
    return %c0_i32, %arg0, %c0_i32_0 : i32, i32, i32
  }
  func.func @transform_5(%arg0: i32) -> (i32, i32) {
    %c0_i32 = arith.constant 0 : i32
    %c0_i32_0 = arith.constant 0 : i32
    return %arg0, %c0_i32 : i32, i32
  }
}

module attributes {stable_mosaic.version = 14 : i64} {
  func.func @_tc_b_body(%arg0: i32, %arg1: memref<2x1256x144xf32, #tpu.memory_space<vmem>>, %arg2: memref<256xf32, #tpu.memory_space<vmem>>, %arg3: memref<256x64xf32, #tpu.memory_space<vmem>>, %arg4: memref<1x64xf32, #tpu.memory_space<vmem>>, %arg5: memref<1x64xf32, #tpu.memory_space<vmem>>, %arg6: memref<1256x80xf32, #tpu.memory_space<vmem>>, %arg7: memref<1256x2xf32, #tpu.memory_space<vmem>>) attributes {dimension_semantics = [#tpu.dimension_semantics<arbitrary>], iteration_bounds = array<i64: 8>, scalar_prefetch = 0 : i64, scratch_operands = 0 : i64, tpu.core_type = #tpu.core_type<tc>, window_params = [{transform_indices = @transform_0, window_bounds = array<i64: 2, 1256, 144>}, {pipeline_mode = #tpu.pipeline_mode<synchronous>, transform_indices = @transform_1, window_bounds = array<i64: 256>}, {pipeline_mode = #tpu.pipeline_mode<synchronous>, transform_indices = @transform_2, window_bounds = array<i64: 256, 64>}, {pipeline_mode = #tpu.pipeline_mode<synchronous>, transform_indices = @transform_3, window_bounds = array<i64: 1, 64>}, {pipeline_mode = #tpu.pipeline_mode<synchronous>, transform_indices = @transform_4, window_bounds = array<i64: 1, 64>}, {transform_indices = @transform_5, window_bounds = array<i64: 1256, 80>}, {transform_indices = @transform_6, window_bounds = array<i64: 1256, 2>}]} {
    %get3A = arith.constant 0 : index
    %get3A_0 = arith.constant 0 : index
    %get3A_1 = arith.constant 0 : index
    %get3A_2 = vector.load %arg1[%get3A, %get3A_0, %get3A_1] : memref<2x1256x144xf32, #tpu.memory_space<vmem>>, vector<1x1256x144xf32>
    %get3A_3 = vector.shape_cast %get3A_2 : vector<1x1256x144xf32> to vector<1256x144xf32>
    %get3A_4 = arith.constant 1 : index
    %get3A_5 = arith.constant 0 : index
    %get3A_6 = arith.constant 0 : index
    %get3A_7 = vector.load %arg1[%get3A_4, %get3A_5, %get3A_6] : memref<2x1256x144xf32, #tpu.memory_space<vmem>>, vector<1x1256x144xf32>
    %get3A_8 = vector.shape_cast %get3A_7 : vector<1x1256x144xf32> to vector<1256x144xf32>
    %slice3A = vector.extract_strided_slice %get3A_3 {offsets = [0, 128], sizes = [1256, 1], strides = [1, 1]} : vector<1256x144xf32> to vector<1256x1xf32>
    %add3A = arith.constant 1.000000e-16 : f32
    %add3A_9 = vector.broadcast %add3A : f32 to vector<1256x1xf32>
    %add3A_10 = arith.addf %slice3A, %add3A_9 : vector<1256x1xf32>
    %slice3A_11 = vector.extract_strided_slice %get3A_8 {offsets = [0, 128], sizes = [1256, 1], strides = [1, 1]} : vector<1256x144xf32> to vector<1256x1xf32>
    %add3A_12 = arith.constant 1.000000e-16 : f32
    %add3A_13 = vector.broadcast %add3A_12 : f32 to vector<1256x1xf32>
    %add3A_14 = arith.addf %slice3A_11, %add3A_13 : vector<1256x1xf32>
    %slice3A_15 = vector.extract_strided_slice %get3A_3 {offsets = [0, 0], sizes = [1256, 128], strides = [1, 1]} : vector<1256x144xf32> to vector<1256x128xf32>
    %div3A = vector.broadcast %add3A_10 : vector<1256x1xf32> to vector<1256x128xf32>
    %div3A_16 = arith.divf %slice3A_15, %div3A : vector<1256x128xf32>
    %get3A_17 = arith.constant 0 : index
    %get3A_18 = vector.load %arg2[%get3A_17] : memref<256xf32, #tpu.memory_space<vmem>>, vector<128xf32>
    %broadcast_in_dim3A = vector.shape_cast %get3A_18 : vector<128xf32> to vector<1x128xf32>
    %add3A_19 = vector.broadcast %broadcast_in_dim3A : vector<1x128xf32> to vector<1256x128xf32>
    %add3A_20 = arith.addf %div3A_16, %add3A_19 : vector<1256x128xf32>
    %max3A = arith.constant 0.000000e+00 : f32
    %max3A_21 = vector.broadcast %max3A : f32 to vector<1256x128xf32>
    %max3A_22 = arith.maximumf %add3A_20, %max3A_21 : vector<1256x128xf32>
    %slice3A_23 = vector.extract_strided_slice %get3A_8 {offsets = [0, 0], sizes = [1256, 128], strides = [1, 1]} : vector<1256x144xf32> to vector<1256x128xf32>
    %div3A_24 = vector.broadcast %add3A_14 : vector<1256x1xf32> to vector<1256x128xf32>
    %div3A_25 = arith.divf %slice3A_23, %div3A_24 : vector<1256x128xf32>
    %get3A_26 = arith.constant 128 : index
    %get3A_27 = vector.load %arg2[%get3A_26] : memref<256xf32, #tpu.memory_space<vmem>>, vector<128xf32>
    %broadcast_in_dim3A_28 = vector.shape_cast %get3A_27 : vector<128xf32> to vector<1x128xf32>
    %add3A_29 = vector.broadcast %broadcast_in_dim3A_28 : vector<1x128xf32> to vector<1256x128xf32>
    %add3A_30 = arith.addf %div3A_25, %add3A_29 : vector<1256x128xf32>
    %max3A_31 = arith.constant 0.000000e+00 : f32
    %max3A_32 = vector.broadcast %max3A_31 : f32 to vector<1256x128xf32>
    %max3A_33 = arith.maximumf %add3A_30, %max3A_32 : vector<1256x128xf32>
    %concatenate3A = tpu.concatenate %max3A_22, %max3A_33 in 1 : vector<1256x128xf32>, vector<1256x128xf32> -> vector<1256x256xf32>
    %get3A_34 = arith.constant 0 : index
    %get3A_35 = arith.constant 0 : index
    %get3A_36 = vector.load %arg3[%get3A_34, %get3A_35] : memref<256x64xf32, #tpu.memory_space<vmem>>, vector<256x64xf32>
    %dot_general3A = arith.constant dense<0.000000e+00> : vector<1256x64xf32>
    %dot_general3A_37 = tpu.matmul %concatenate3A, %get3A_36, %dot_general3A {dimension_numbers = #tpu.dot_dimension_numbers<[1], [0], [0], [1], [0, 0, 1, 1], [], []>, transpose_lhs_hint = false} : vector<1256x256xf32>, vector<256x64xf32>, vector<1256x64xf32> -> vector<1256x64xf32>
    %iota3A = tpu.iota {dimensions = array<i32: 1>} : vector<1256x16xi32>
    %eq3A = arith.constant 0 : i32
    %eq3A_38 = vector.broadcast %eq3A : i32 to vector<1256x16xi32>
    %eq3A_39 = arith.cmpi eq, %iota3A, %eq3A_38 : vector<1256x16xi32>
    %jit3A = arith.constant 1.000000e+00 : f32
    %jit3A_40 = arith.constant 0.000000e+00 : f32
    %broadcast_in_dim3A_41 = vector.broadcast %jit3A : f32 to vector<1256x16xf32>
    %broadcast_in_dim3A_42 = vector.broadcast %jit3A_40 : f32 to vector<1256x16xf32>
    %select_n3A = arith.select %eq3A_39, %broadcast_in_dim3A_41, %broadcast_in_dim3A_42 : vector<1256x16xi1>, vector<1256x16xf32>
    %concatenate3A_43 = tpu.concatenate %dot_general3A_37, %select_n3A in 1 : vector<1256x64xf32>, vector<1256x16xf32> -> vector<1256x80xf32>
    %swap3A = arith.constant 0 : index
    %swap3A_44 = arith.constant 0 : index
    %swap3A_45 = vector.load %arg6[%swap3A, %swap3A_44] : memref<1256x80xf32, #tpu.memory_space<vmem>>, vector<1256x80xf32>
    tpu.vector_store %arg6[%swap3A, %swap3A_44], %concatenate3A_43 {strides = array<i32>} : memref<1256x80xf32, #tpu.memory_space<vmem>>, vector<1256x80xf32>,
    %get3A_46 = arith.constant 0 : index
    %get3A_47 = arith.constant 0 : index
    %get3A_48 = vector.load %arg4[%get3A_46, %get3A_47] : memref<1x64xf32, #tpu.memory_space<vmem>>, vector<1x64xf32>
    %get3A_49 = vector.shape_cast %get3A_48 : vector<1x64xf32> to vector<64xf32>
    %broadcast_in_dim3A_50 = vector.shape_cast %get3A_49 : vector<64xf32> to vector<1x64xf32>
    %mul3A = vector.broadcast %broadcast_in_dim3A_50 : vector<1x64xf32> to vector<1256x64xf32>
    %mul3A_51 = arith.mulf %dot_general3A_37, %mul3A : vector<1256x64xf32>
    %reduce_sum3A = arith.constant dense<0.000000e+00> : vector<1256xf32>
    %reduce_sum3A_52 = vector.multi_reduction <add>, %mul3A_51, %reduce_sum3A [1] : vector<1256x64xf32> to vector<1256xf32>
    %get3A_53 = arith.constant 0 : index
    %get3A_54 = arith.constant 0 : index
    %get3A_55 = vector.load %arg5[%get3A_53, %get3A_54] : memref<1x64xf32, #tpu.memory_space<vmem>>, vector<1x64xf32>
    %get3A_56 = vector.shape_cast %get3A_55 : vector<1x64xf32> to vector<64xf32>
    %broadcast_in_dim3A_57 = vector.shape_cast %get3A_56 : vector<64xf32> to vector<1x64xf32>
    %mul3A_58 = vector.broadcast %broadcast_in_dim3A_57 : vector<1x64xf32> to vector<1256x64xf32>
    %mul3A_59 = arith.mulf %dot_general3A_37, %mul3A_58 : vector<1256x64xf32>
    %reduce_sum3A_60 = arith.constant dense<0.000000e+00> : vector<1256xf32>
    %reduce_sum3A_61 = vector.multi_reduction <add>, %mul3A_59, %reduce_sum3A_60 [1] : vector<1256x64xf32> to vector<1256xf32>
    %stack3A = vector.shape_cast %reduce_sum3A_52 : vector<1256xf32> to vector<1256x1xf32>
    %stack3A_62 = vector.shape_cast %reduce_sum3A_61 : vector<1256xf32> to vector<1256x1xf32>
    %stack3A_63 = tpu.concatenate %stack3A, %stack3A_62 in 1 : vector<1256x1xf32>, vector<1256x1xf32> -> vector<1256x2xf32>
    %swap3A_64 = arith.constant 0 : index
    %swap3A_65 = arith.constant 0 : index
    %swap3A_66 = vector.load %arg7[%swap3A_64, %swap3A_65] : memref<1256x2xf32, #tpu.memory_space<vmem>>, vector<1256x2xf32>
    tpu.vector_store %arg7[%swap3A_64, %swap3A_65], %stack3A_63 {strides = array<i32>} : memref<1256x2xf32, #tpu.memory_space<vmem>>, vector<1256x2xf32>,
    return
  }
  func.func @transform_0(%arg0: i32) -> (i32, i32, i32) {
    %c0_i32 = arith.constant 0 : i32
    %c0_i32_0 = arith.constant 0 : i32
    %c0_i32_1 = arith.constant 0 : i32
    return %c0_i32, %arg0, %c0_i32_0 : i32, i32, i32
  }
  func.func @transform_1(%arg0: i32) -> i32 {
    %c0_i32 = arith.constant 0 : i32
    %c0_i32_0 = arith.constant 0 : i32
    return %c0_i32 : i32
  }
  func.func @transform_2(%arg0: i32) -> (i32, i32) {
    %c0_i32 = arith.constant 0 : i32
    %c0_i32_0 = arith.constant 0 : i32
    %c0_i32_1 = arith.constant 0 : i32
    return %c0_i32, %c0_i32_0 : i32, i32
  }
  func.func @transform_3(%arg0: i32) -> (i32, i32) {
    %c0_i32 = arith.constant 0 : i32
    %c0_i32_0 = arith.constant 0 : i32
    %c0_i32_1 = arith.constant 0 : i32
    return %c0_i32, %c0_i32_0 : i32, i32
  }
  func.func @transform_4(%arg0: i32) -> (i32, i32) {
    %c0_i32 = arith.constant 0 : i32
    %c0_i32_0 = arith.constant 0 : i32
    %c0_i32_1 = arith.constant 0 : i32
    return %c0_i32, %c0_i32_0 : i32, i32
  }
  func.func @transform_5(%arg0: i32) -> (i32, i32) {
    %c0_i32 = arith.constant 0 : i32
    %c0_i32_0 = arith.constant 0 : i32
    return %arg0, %c0_i32 : i32, i32
  }
  func.func @transform_6(%arg0: i32) -> (i32, i32) {
    %c0_i32 = arith.constant 0 : i32
    %c0_i32_0 = arith.constant 0 : i32
    return %arg0, %c0_i32 : i32, i32
  }
}

module attributes {stable_mosaic.version = 14 : i64} {
  func.func @_tc_c_body(%arg0: i32, %arg1: memref<2x1000x80xf32, #tpu.memory_space<vmem>>, %arg2: memref<64xf32, #tpu.memory_space<vmem>>, %arg3: memref<1000x64xf32, #tpu.memory_space<vmem>>) attributes {dimension_semantics = [#tpu.dimension_semantics<arbitrary>], iteration_bounds = array<i64: 10>, scalar_prefetch = 0 : i64, scratch_operands = 0 : i64, tpu.core_type = #tpu.core_type<tc>, window_params = [{transform_indices = @transform_0, window_bounds = array<i64: 2, 1000, 80>}, {pipeline_mode = #tpu.pipeline_mode<synchronous>, transform_indices = @transform_1, window_bounds = array<i64: 64>}, {transform_indices = @transform_2, window_bounds = array<i64: 1000, 64>}]} {
    %get3A = arith.constant 0 : index
    %get3A_0 = arith.constant 0 : index
    %get3A_1 = arith.constant 0 : index
    %get3A_2 = vector.load %arg1[%get3A, %get3A_0, %get3A_1] : memref<2x1000x80xf32, #tpu.memory_space<vmem>>, vector<1x1000x80xf32>
    %get3A_3 = vector.shape_cast %get3A_2 : vector<1x1000x80xf32> to vector<1000x80xf32>
    %get3A_4 = arith.constant 1 : index
    %get3A_5 = arith.constant 0 : index
    %get3A_6 = arith.constant 0 : index
    %get3A_7 = vector.load %arg1[%get3A_4, %get3A_5, %get3A_6] : memref<2x1000x80xf32, #tpu.memory_space<vmem>>, vector<1x1000x80xf32>
    %get3A_8 = vector.shape_cast %get3A_7 : vector<1x1000x80xf32> to vector<1000x80xf32>
    %add3A = arith.addf %get3A_3, %get3A_8 : vector<1000x80xf32>
    %slice3A = vector.extract_strided_slice %add3A {offsets = [0, 64], sizes = [1000, 1], strides = [1, 1]} : vector<1000x80xf32> to vector<1000x1xf32>
    %add3A_9 = arith.constant 1.000000e-16 : f32
    %add3A_10 = vector.broadcast %add3A_9 : f32 to vector<1000x1xf32>
    %add3A_11 = arith.addf %slice3A, %add3A_10 : vector<1000x1xf32>
    %slice3A_12 = vector.extract_strided_slice %add3A {offsets = [0, 0], sizes = [1000, 64], strides = [1, 1]} : vector<1000x80xf32> to vector<1000x64xf32>
    %div3A = vector.broadcast %add3A_11 : vector<1000x1xf32> to vector<1000x64xf32>
    %div3A_13 = arith.divf %slice3A_12, %div3A : vector<1000x64xf32>
    %get3A_14 = arith.constant 0 : index
    %get3A_15 = vector.load %arg2[%get3A_14] : memref<64xf32, #tpu.memory_space<vmem>>, vector<64xf32>
    %broadcast_in_dim3A = vector.shape_cast %get3A_15 : vector<64xf32> to vector<1x64xf32>
    %add3A_16 = vector.broadcast %broadcast_in_dim3A : vector<1x64xf32> to vector<1000x64xf32>
    %add3A_17 = arith.addf %div3A_13, %add3A_16 : vector<1000x64xf32>
    %swap3A = arith.constant 0 : index
    %swap3A_18 = arith.constant 0 : index
    %swap3A_19 = vector.load %arg3[%swap3A, %swap3A_18] : memref<1000x64xf32, #tpu.memory_space<vmem>>, vector<1000x64xf32>
    tpu.vector_store %arg3[%swap3A, %swap3A_18], %add3A_17 {strides = array<i32>} : memref<1000x64xf32, #tpu.memory_space<vmem>>, vector<1000x64xf32>,
    return
  }
  func.func @transform_0(%arg0: i32) -> (i32, i32, i32) {
    %c0_i32 = arith.constant 0 : i32
    %c0_i32_0 = arith.constant 0 : i32
    %c0_i32_1 = arith.constant 0 : i32
    return %c0_i32, %arg0, %c0_i32_0 : i32, i32, i32
  }
  func.func @transform_1(%arg0: i32) -> i32 {
    %c0_i32 = arith.constant 0 : i32
    %c0_i32_0 = arith.constant 0 : i32
    return %c0_i32 : i32
  }
  func.func @transform_2(%arg0: i32) -> (i32, i32) {
    %c0_i32 = arith.constant 0 : i32
    %c0_i32_0 = arith.constant 0 : i32
    return %arg0, %c0_i32 : i32, i32
  }
}

</mosaic_0001>

<sc_bundles>
// kernel: kernel.10.cloned.1.call-start
scs
__scs_entry_jumppad:
0x0: {  	(pc) =	sbr.rel $0x88, $3  }
0x1: {  	(tag) =	ssettag $0x0;
	lr =	simm.s32 $0x1  }
0x2: {  	[smem:$0x3F97] =	sst lr;
	_ =	strace $0xD0000000  }
0x3: {  	_ = 	snop  }
0x4: {  	_ = 	snop  }
0x5: {  	_ = 	snop  }
0x6: {  	_ = 	snop  }
0x7: {  	_ = 	snop  }
__scs_overlays_trampoline_lowered:
0x8: {  	[smem:$0x3FA6] =	sst s0  }
0x9: {  	[smem:$0x3FA7] =	sst s1  }
0xa: {  	[smem:$0x3FA8] =	sst s2  }
0xb: {  	[smem:$0x3FA9] =	sst s3  }
0xc: {  	[smem:$0x3FAA] =	sst s4  }
0xd: {  	[smem:$0x3FAB] =	sst s5  }
0xe: {  	[smem:$0x3FAC] =	sst s6  }
0xf: {  	[smem:$0x3FAD] =	sst s7  }
0x10: {  	[smem:$0x3FAE] =	sst s8  }
0x11: {  	[smem:$0x3FAF] =	sst s9;
	s0 =	simm.s32 @!p0 $0x0  }
0x12: {  	s1 =	sld [smem:$0x3F95];
	s0 =	simm.s32 @p0 $0x1  }
0x13: {  	[smem:$0x3FB0] =	sst s0;
	s0 =	simm.s32 @!p1 $0x0  }
0x14: {  	s2 =	sld [smem:$0x3F94];
	s0 =	simm.s32 @p1 $0x1  }
0x15: {  	[smem:$0x3FB1] =	sst s0;
	s0 =	simm.s32 @!p2 $0x0  }
0x16: {  	s3 =	sld [smem:$0x3FDB];
	s0 =	simm.s32 @p2 $0x1  }
0x17: {  	s4 =	simm.s32 $0x1BF5;
	[smem:$0x3FB3] =	sst s0  }
0x18: {  	s0 =	sld [smem:$0x3F96];
	_ =	swait.ge [sflag:s4], $0x0  }
0x19: {  	s7 =	sld [smem:$0x3F97]  }
0x1a: {  	s8 =	sadd.s32 $0xFFFFE003, lr  }
0x1b: {  	s9 =	sadd.s32 $0xFFFFFEF7, lr;
	s5 =	simm.s32 $0xFFFFFFFF;
	p2 =	slt.u32 s8, $0xFFFFF086  }
0x1c: {  	p1 =	slt.u32 s9, $0xF7A;
	s5 =	simm.s32 @!p2 $0x0  }
0x1d: {  	s5 =	simm.s32 @p1 $0x1;
	p0 =	seq.s32 s7, s2  }
0x1e: {  	s7 =	smul.u32 @!p0 $0xF7A, s2;
	p2 =	seq.s32 @!p0 s5, $0x0  }
0x1f: {  	s9 =	smul.u32 $0xF7A, s1;
	s8 =	simm.s32 @!p0 $0x1BF5;
	p2 =	por !p2, p0  }
0x20: {  	[sflag:s8] =	ssyncset.s32 @!p0 $0xFFFFF086;
	s6 =	sadd.s32 @!p0 s3, s7;
	s7 =	simm.s32 @!p0 $0x108  }
0x21: {  	s3 =	sadd.s32 s3, s9;
	s6 =	sadd.s32 @!p0 $0x88, s6;
	s7 =	simm.s32 @p2 $0x1082  }
0x22: {  	[simem:s7], [sflag:s8] =	dma.local @!p0 [hbm:s6], $0xF7A  }
0x23: {  	s9 =	sor.u32 $0xD0000000, s2;
	s6 =	simm.s32 $0x108;
	_ =	swait.ge @!p0 [sflag:s8], $0x0  }
0x24: {  	s3 =	sadd.s32 $0x88, s3;
	s6 =	simm.s32 @!p1 $0x1082;
	[sflag:s4] =	ssyncset.s32 $0xFFFFF086  }
0x25: {  	[simem:s6], [sflag:s4] =	dma.local [hbm:s3], $0xF7A  }
0x26: {  	[smem:$0x3F97] =	sst s1;
	(tag) =	ssettag s2;
	_ =	strace s9  }
0x27: {  	s1 =	sld [smem:$0x3FA7]  }
0x28: {  	s2 =	sld [smem:$0x3FA8]  }
0x29: {  	s4 =	sld [smem:$0x3FAA]  }
0x2a: {  	p0 =	seq.s32 s5, $0x0;
	s5 =	sld [smem:$0x3FAB]  }
0x2b: {  	s6 =	sld [smem:$0x3FAC]  }
0x2c: {  	s7 =	sld [smem:$0x3FAD]  }
0x2d: {  	s3 =	simm.s32 $0x108;
	s8 =	sld [smem:$0x3FAE]  }
0x2e: {  	s3 =	simm.s32 @!p0 $0x1082;
	s9 =	sld [smem:$0x3FAF]  }
0x2f: {  	lr =	sadd.s32 s0, s3;
	s0 =	sld [smem:$0x3FA6]  }
0x30: {  	s3 =	sld [smem:$0x3FA9]  }
0x31: {  	[smem:$0x3FB2] =	sst s10  }
0x32: {  	s10 =	sld [smem:$0x3FB0];
	_ =	sdelay $0x3  }
0x33: {  	p0 =	seq.s32 s10, $0x1;
	s10 =	sld [smem:$0x3FB2];
	_ =	sdelay $0x3  }
0x34: {  	[smem:$0x3FB2] =	sst s10  }
0x35: {  	s10 =	sld [smem:$0x3FB1];
	_ =	sdelay $0x3  }
0x36: {  	p1 =	seq.s32 s10, $0x1;
	s10 =	sld [smem:$0x3FB2];
	_ =	sdelay $0x3  }
0x37: {  	[smem:$0x3FB2] =	sst s10  }
0x38: {  	s10 =	sld [smem:$0x3FB3]  }
0x39: {  	_ = 	snop;
	(pc) =	sbr.ind lr, $3  }
0x3a: {  	_ = 	snop  }
0x3b: {  	_ = 	snop  }
0x3c: {  	p2 =	seq.s32 s10, $0x1;
	s10 =	sld [smem:$0x3FB2]  }
0x3d: {  	_ =	shalt  }
0x3e: {  	_ =	shalt  }
0x3f: {  	_ =	shalt  }
0x40: {  	_ =	shalt  }
0x41: {  	_ =	shalt  }
0x42: {  	_ =	shalt  }
0x43: {  	_ =	shalt  }
0x44: {  	_ =	shalt  }
0x45: {  	_ =	shalt  }
0x46: {  	_ =	shalt  }
0x47: {  	_ =	shalt  }
0x48: {  	_ =	shalt  }
0x49: {  	_ =	shalt  }
0x4a: {  	_ =	shalt  }
0x4b: {  	_ =	shalt  }
0x4c: {  	_ =	shalt  }
0x4d: {  	_ =	shalt  }
0x4e: {  	_ =	shalt  }
0x4f: {  	_ =	shalt  }
0x50: {  	_ =	shalt  }
0x51: {  	_ =	shalt  }
0x52: {  	_ =	shalt  }
0x53: {  	_ =	shalt  }
0x54: {  	_ =	shalt  }
0x55: {  	_ =	shalt  }
0x56: {  	_ =	shalt  }
0x57: {  	_ =	shalt  }
0x58: {  	_ =	shalt  }
0x59: {  	_ =	shalt  }
0x5a: {  	_ =	shalt  }
0x5b: {  	_ =	shalt  }
0x5c: {  	_ =	shalt  }
0x5d: {  	_ =	shalt  }
0x5e: {  	_ =	shalt  }
0x5f: {  	_ =	shalt  }
0x60: {  	_ =	shalt  }
0x61: {  	_ =	shalt  }
0x62: {  	_ =	shalt  }
0x63: {  	_ =	shalt  }
0x64: {  	_ =	shalt  }
0x65: {  	_ =	shalt  }
0x66: {  	_ =	shalt  }
0x67: {  	_ =	shalt  }
0x68: {  	_ =	shalt  }
0x69: {  	_ =	shalt  }
0x6a: {  	_ =	shalt  }
0x6b: {  	_ =	shalt  }
0x6c: {  	_ =	shalt  }
0x6d: {  	_ =	shalt  }
0x6e: {  	_ =	shalt  }
0x6f: {  	_ =	shalt  }
0x70: {  	_ =	shalt  }
0x71: {  	_ =	shalt  }
0x72: {  	_ =	shalt  }
0x73: {  	_ =	shalt  }
0x74: {  	_ =	shalt  }
0x75: {  	_ =	shalt  }
0x76: {  	_ =	shalt  }
0x77: {  	_ =	shalt  }
0x78: {  	_ =	shalt  }
0x79: {  	_ =	shalt  }
0x7a: {  	_ =	shalt  }
0x7b: {  	_ =	shalt  }
0x7c: {  	_ =	shalt  }
0x7d: {  	_ =	shalt  }
0x7e: {  	_ =	shalt  }
0x7f: {  	_ =	shalt  }
0x80: {  	_ =	shalt  }
0x81: {  	_ =	shalt  }
0x82: {  	_ =	shalt  }
0x83: {  	_ =	shalt  }
0x84: {  	_ =	shalt  }
0x85: {  	_ =	shalt  }
0x86: {  	_ =	shalt  }
0x87: {  	_ =	shalt  }
.Lfunc_end0:
.L_simem_size_0:
called_computation.1_lowered:
.L_overlay_start_0:
0x88: {  	s2 =	sld [smem:$0x3FD9]  }
0x89: {  	s3 =	sld [smem:$0x3FFE];
	_ =	sdelay $0x1  }
0x8a: {  	s1 =	srdreg.scid  }
0x8b: {  	s0 =	sand.u32 $0x1, s1  }
0x8c: {  	s17 =	sshll.u32 s0, $0xA;
	s2 =	sadd.s32 s3, s2  }
0x8d: {  	s2 =	sadd.s32 s2, s17  }
0x8e: {  	[smem:$0x3FBE] =	sst s2  }
0x8f: {  	_ = 	snop  }
0x90: {  	s2 =	sld [smem:$0x3FD0];
	(tm) =	ssettm $0x1  }
0x91: {  	s18 =	sld [smem:$0x3FFB];
	_ =	sdelay $0x3  }
0x92: {  	_ =	strace s18  }
0x93: {  	s3 =	sld [smem:$0x3FFC];
	_ =	sdelay $0x3  }
0x94: {  	_ =	strace s3  }
0x95: {  	s3 =	sld [smem:$0x3FFD];
	_ =	sdelay $0x3  }
0x96: {  	_ =	strace s3  }
0x97: {  	_ =	strace $0x8FFFFFFF  }
0x98: {  	s19 =	sld [smem:$0x3FDB];
	_ =	sdelay $0x1  }
0x99: {  	s4 =	simm.s32 $_scs_section_size  }
0x9a: {  	s5 =	simm.s32 $_size__tile_overlayer_lowered;
	s6 =	simm.s32 $_tile_overlayer_lowered  }
0x9b: {  	s22 =	simm.s32 $0x1BFF;
	s21 =	sshll.u32 s6, $0x1;
	s3 =	sadd.s32 s4, s19  }
0x9c: {  	s7 =	simm.s32 $0x0;
	s20 =	sshll.u32 s5, $0x1;
	s5 =	sadd.s32 s21, s3  }
0x9d: {  	[timem:s7], [sflag:s22] =	dma.local [hbm:s5], s20  }
0x9e: {  	_ =	swait.ge [sflag:s22], s20  }
0x9f: {  	s4 =	ssub.s32 $0x0, s20;
	[sflag:s22] =	ssyncset.done $0x0  }
0xa0: {  	[sflag:s22] =	ssyncadd.s32 s4;
	_ =	sdelay $0x1  }
0xa1: {  	s23 =	simm.s32 $0x1B8B  }
0xa2: {  	_ =	swait.ge [sflag:s23], $0x1  }
0xa3: {  	[sflag:s23] =	ssyncset.done $0x0  }
0xa4: {  	s25 =	simm.s32 $0x1B8E;
	s24 =	sld [smem:$0x3FFE];
	[sflag:s23] =	ssyncadd.s32 $0xFFFFFFFF  }
0xa5: {  	s26 =	simm.s32 $execute0_lowered;
	[smem:$0x3FD2] =	sst s25  }
0xa6: {  	s5 =	sshll.u32 s26, $0x1;
	_ =	strace $0x80000049;
	[dreg:$0x1] =	wrdreg $0xFFFFFFFF  }
0xa7: {  	s28 =	simm.s32 $_size_execute0_lowered;
	s3 =	sadd.s32 s3, s5;
	[dreg:$0x0] =	wrdreg $0x0  }
0xa8: {  	s5 =	sshll.u32 s28, $0x1;
	[dreg:$0x2] =	wrdreg s3  }
0xa9: {  	[dreg:$0x3] =	wrdreg s5  }
0xaa: {  	[dreg:$0x4] =	wrdreg $0xC0  }
0xab: {  	_ =	task [dreg:s7], $0x5FFFF  }
0xac: {  	[dreg:$0x1] =	wrdreg $0xFFFFFFFF  }
0xad: {  	[dreg:$0x0] =	wrdreg $0x60  }
0xae: {  	[dreg:$0x2] =	wrdreg s24  }
0xaf: {  	[dreg:$0x3] =	wrdreg s2  }
0xb0: {  	[dreg:$0x4] =	wrdreg $0x78000  }
0xb1: {  	[dreg:$0x5] =	wrdreg $0x9  }
0xb2: {  	_ =	task.clear_ibuf [dreg:s7], $0x6FFFF;
	_ =	strace $0x90000049  }
0xb3: {  	s29 =	simm.s32 $0x9;
	_ =	strace $0x8000004B  }
0xb4: {  	_ =	swait.ge [sflag:s29], $0x1  }
0xb5: {  	[sflag:s29] =	ssyncadd.s32 $0xFFFFFFFF  }
0xb6: {  	_ =	strace $0x9000004B  }
0xb7: {  	_ =	sfence  }
0xb8: {  	s30 =	sld [smem:$0x0];
	_ =	sdelay $0x2  }
0xb9: {  	s31 =	sshll.u32 s1, $0xD;
	s1 =	sshrl.u32 s1, $0x2  }
0xba: {  	s3 =	sand.u32 $0x4000, s31;
	s1 =	sadd.s32 s1, s30  }
0xbb: {  	s0 =	sor.u32 s3, s0;
	s1 =	sshll.u32 s1, $0x11  }
0xbc: {  	s0 =	sor.u32 s1, s0  }
0xbd: {  	s0 =	sadd.s32 $0x8F2B, s0  }
0xbe: {  	[sflag:s0] =	ssyncadd.remote.s32 $0x1  }
0xbf: {  	_ =	sfence.sel $0xFFFF  }
0xc0: {  	[dreg:$0x0] =	wrdreg $0xFFFFFFFF;
	(pc) =	sbr.abs _section_cstart, $3  }
0xc1: {  	[dreg:$0x1] =	wrdreg $0xFFFFFFFF  }
0xc2: {  	_ =	task.clear_ibuf [dreg:s7], $0x2FFFF;
	_ =	strace $0x9FFFFFFF  }
0xc3: {  	(tm) =	ssettm $0x7FFFFFFF  }
tec
execute0_lowered:
.L_overlay_start_1:
0x0: {  	(tag) =	ssettag $0x1  }
0x1: {  	s1 =	rddreg [dreg:$0x0]  }
0x2: {  	s3 =	rddreg [dreg:$0x1]  }
0x3: {  	s4 =	rddreg [dreg:$0x2]  }
0x4: {  	s0 =	srdreg.scid;
	s2 =	stileid.u32;
	s5 =	simm.s32 $0x0  }
0x5: {  	s17 =	simm.s32 $0x2;
	s18 =	simm.s32 $0x2740;
	s19 =	simm.s32 $0x5000  }
0x6: {  	s20 =	simm.s32 $0x4E80;
	s21 =	simm.s32 $0x4F00;
	s22 =	simm.s32 $0x80  }
0x7: {  	s23 =	simm.s32 $0x1;
	s24 =	simm.s32 $0x4F80;
	s26 =	simm.s32 $0x0  }
0x8: {  	s0 =	sand.u32 $0x1, s0;
	s9 =	smul.u32 $0x1888, s2;
	[smem:$0x7FF] =	sst s5  }
0x9: {  	s11 =	smul.u32 $0x31100, s2;
	s6 =	sadd.s32 $0xA200, s1;
	s7 =	sadd.s32 $0x23200, s1  }
0xa: {  	s8 =	sadd.s32 $0x22C00, s1;
	s31 =	sshll.u32 s2, $0x6;
	s10 =	smul.u32 $0x18880, s0  }
0xb: {  	_ =	strace $0x8000004A;
	s30 =	ssub.s32 $0x2, s0;
	s0 =	sshll.u32 s0, $0x4  }
0xc: {  	s25 =	sor.u32 $0x1C02, s31;
	s11 =	sshrl.u32 s11, $0x2;
	s12 =	sshrl.u32 s30, $0x1  }
0xd: {  	s0 =	sor.u32 s2, s0;
	s9 =	sadd.s32 s9, s10;
	s16 =	ssub.s32 s30, s12  }
0xe: {  	s14 =	smul.u32 $0x2880, s0;
	s15 =	sadd.s32 s9, s1;
	s9 =	sadd.s32 s11, s4  }
0xf: {  	s16 =	smax.u32 s16, $0x1;
	s10 =	sadd.s32 $0x2800, s9;
	s11 =	sadd.s32 $0x5000, s9  }
0x10: {  	v0 =	vimm.f32 $0.0e+00;
	s12 =	sadd.s32 $0x7800, s9;
	s13 =	sadd.s32 $0xA000, s9;
	s15 =	sadd.s32 $0x23800, s15  }
.LBB2_1:
0x11: {  	[tilespmem:s5], [sflag:$0x2] =	stream.linear.gather [hbm4b:s7+s5], $0x2740, $0x38;
	[tilespmem:$0x13C40] =	vst v63  }
0x12: {  	_ =	swait.ge [sflag:s17], $0x2740  }
0x13: {  	[sflag:s17] =	ssyncset.done $0x0  }
0x14: {  	[sflag:s17] =	ssyncadd.s32 $0xFFFFD8C0  }
0x15: {  	[tilespmem:s18], [sflag:$0x2] =	stream.linear.gather [hbm4b:s8+s5], $0x2740, $0x38;
	[tilespmem:$0x13C40] =	vst v63  }
0x16: {  	_ =	swait.ge [sflag:s17], $0x2740  }
0x17: {  	[sflag:s17] =	ssyncset.done $0x0  }
0x18: {  	s28 =	simm.s32 $0x140;
	s0 =	simm.s32 $0x0;
	[sflag:s17] =	ssyncadd.s32 $0xFFFFD8C0  }
.LBB2_2:
0x19: {  	p0 =	sne.s32 s28, $0x9EC0;
	[tilespmem:s0+$0x5040] =	vst v0;
	s29 =	smov.u32 s28;
	s28 =	sadd.s32 $0x140, s28  }
.Ltmp0:
0x1a: {  	[tilespmem:s0+$0x5030] =	vst v0;
	(pc) =	sbr.rel @p0 .LBB2_2-.Ltmp0, $4  }
0x1b: {  	[tilespmem:s0+$0x5020] =	vst v0  }
0x1c: {  	[tilespmem:s0+$0x5000] =	vst v0  }
0x1d: {  	[tilespmem:s0+$0x5010] =	vst v0  }
0x1e: {  	s0 =	sshra.s32 s29, $0x2  }
0x1f: {  	[tilespmem:s0+$0x5040] =	vst v0  }
0x20: {  	[tilespmem:s0+$0x5030] =	vst v0  }
0x21: {  	[tilespmem:s0+$0x5020] =	vst v0  }
0x22: {  	[tilespmem:s0+$0x5000] =	vst v0  }
0x23: {  	[tilespmem:s0+$0x5010] =	vst v0  }
0x24: {  	[spmem:s9] =	stream.linear.scatter [tilespmem:s19], [sflag:$0x2], $0x2800, $0x38;
	[tilespmem:$0x13C40] =	vst v63  }
0x25: {  	_ =	swait.ge [sflag:s17], $0x2800  }
0x26: {  	[sflag:s17] =	ssyncset.done $0x0  }
0x27: {  	[sflag:s17] =	ssyncadd.s32 $0xFFFFD800  }
0x28: {  	[spmem:s10] =	stream.linear.scatter [tilespmem:s19], [sflag:$0x2], $0x2800, $0x38;
	[tilespmem:$0x13C40] =	vst v63  }
0x29: {  	_ =	swait.ge [sflag:s17], $0x2800  }
0x2a: {  	[sflag:s17] =	ssyncset.done $0x0  }
0x2b: {  	[sflag:s17] =	ssyncadd.s32 $0xFFFFD800  }
0x2c: {  	[spmem:s11] =	stream.linear.scatter [tilespmem:s19], [sflag:$0x2], $0x2800, $0x38;
	[tilespmem:$0x13C40] =	vst v63  }
0x2d: {  	_ =	swait.ge [sflag:s17], $0x2800  }
0x2e: {  	[sflag:s17] =	ssyncset.done $0x0  }
0x2f: {  	[sflag:s17] =	ssyncadd.s32 $0xFFFFD800  }
0x30: {  	[spmem:s12] =	stream.linear.scatter [tilespmem:s19], [sflag:$0x2], $0x2800, $0x38;
	[tilespmem:$0x13C40] =	vst v63  }
0x31: {  	_ =	swait.ge [sflag:s17], $0x2800  }
0x32: {  	[sflag:s17] =	ssyncset.done $0x0  }
0x33: {  	[sflag:s17] =	ssyncadd.s32 $0xFFFFD800  }
0x34: {  	[spmem:s13] =	stream.linear.scatter [tilespmem:s19], [sflag:$0x2], $0x2440, $0x38;
	[tilespmem:$0x13C40] =	vst v63  }
0x35: {  	_ =	swait.ge [sflag:s17], $0x2440  }
0x36: {  	[sflag:s17] =	ssyncset.done $0x0  }
0x37: {  	[sflag:s17] =	ssyncadd.s32 $0xFFFFDBC0  }
0x38: {  	s28 =	simm.s32 $0x0;
	s29 =	simm.s32 $0x0;
	[bflag:$0x0] =	sbarrier.arrive $0xFFFF  }
.LBB2_4:
0x39: {  	s0 =	sshll.u32 s29, $0x7  }
0x3a: {  	s30 =	sadd.s32 s14, s0  }
0x3b: {  	s0 =	sshrl.u32 s30, $0x3  }
0x3c: {  	s31 =	sadd.s32 s1, s0  }
0x3d: {  	[tilespmem:s20], [sflag:$0x2] =	stream.linear.gather [hbm4b:s31+s28], $0x80, $0x38;
	[tilespmem:$0x13C40] =	vst v63  }
0x3e: {  	_ =	swait.ge [sflag:s17], $0x80  }
0x3f: {  	[sflag:s17] =	ssyncset.done $0x0  }
0x40: {  	s0 =	sadd.s32 s3, s0;
	[sflag:s17] =	ssyncadd.s32 $0xFFFFFF80  }
0x41: {  	[tilespmem:s21], [sflag:$0x2] =	stream.linear.gather [hbm4b:s0+s28], $0x80, $0x38;
	[tilespmem:$0x13C40] =	vst v63  }
0x42: {  	_ =	swait.ge [sflag:s17], $0x80  }
0x43: {  	[sflag:s17] =	ssyncset.done $0x0  }
0x44: {  	[sflag:s17] =	ssyncadd.s32 $0xFFFFFF80  }
0x45: {  	[tilespmem:s19], [sflag:$0x1] =	stream.indirect.gather [hbm4b:s6+s22], $0x50, s20, s22, $0xb8;
	[tilespmem:$0x13C40] =	vst v63  }
0x46: {  	_ =	swait.ge [sflag:s23], $0x2800  }
0x47: {  	[sflag:s23] =	ssyncset.done $0x0  }
0x48: {  	[sflag:s23] =	ssyncadd.s32 $0xFFFFD800  }
0x49: {  	v1 =	vld [tilespmem:$0x4E80]  }
0x4a: {  	v2 =	vld [tilespmem:$0x4F00];
	_ =	sdelay $0x6  }
0x4b: {  	v1 =	vld.idx.msk [tilespmem:v1+s28+$0x0], $0xffff  }
0x4c: {  	v2 =	vld.idx.msk [tilespmem:v2+s18+$0x0], $0xffff;
	_ =	sdelay $0x4  }
0x4d: {  	v1 =	vadd.f32 v2, v1;
	_ =	sdelay $0x1  }
0x4e: {  	v2 =	vmul.f32 $2.000000030e-01, v1  }
0x4f: {  	vm0 =	vge.f32 v1, $0.0e+00  }
0x50: {  	v1 =	vsel vm0, v1, v2  }
0x51: {  	v1 =	vmul.f32 $1.442695020e+00, v1;
	_ =	sdelay $0x1  }
0x52: {  	(erf) = vpow2.f32 v1;
	_ =	sdelay $0x3  }
0x53: {  	v1 =	vld [tilespmem:$0x4E90]  }
0x54: {  	v2 =	vld [tilespmem:$0x4F10];
	_ =	sdelay $0x3  }
0x55: {  	p0 =	slt.u32 s30, $0x50910;
	v3 =	vpop (erf)  }
0x56: {  	v3 =	vpsel !p0, $0x0, v3  }
0x57: {  	[tilespmem:$0x4F80] =	vst v3  }
0x58: {  	v1 =	vld.idx.msk [tilespmem:v1+s28+$0x0], $0xffff  }
0x59: {  	v2 =	vld.idx.msk [tilespmem:v2+s18+$0x0], $0xffff;
	_ =	sdelay $0x4  }
0x5a: {  	v1 =	vadd.f32 v2, v1;
	_ =	sdelay $0x1  }
0x5b: {  	v2 =	vmul.f32 $2.000000030e-01, v1  }
0x5c: {  	vm9 =	vge.f32 v1, $0.0e+00  }
0x5d: {  	v1 =	vsel vm9, v1, v2  }
0x5e: {  	v1 =	vmul.f32 $1.442695020e+00, v1;
	_ =	sdelay $0x1  }
0x5f: {  	(erf) = vpow2.f32 v1;
	_ =	sdelay $0x3  }
0x60: {  	v1 =	vld [tilespmem:$0x4EA0]  }
0x61: {  	v2 =	vld [tilespmem:$0x4F20];
	_ =	sdelay $0x2  }
0x62: {  	s0 =	sor.u32 $0x10, s30  }
0x63: {  	p6 =	slt.u32 s0, $0x50910;
	v3 =	vpop (erf)  }
0x64: {  	v3 =	vpsel !p6, $0x0, v3  }
0x65: {  	[tilespmem:$0x4F90] =	vst v3  }
0x66: {  	v1 =	vld.idx.msk [tilespmem:v1+s28+$0x0], $0xffff  }
0x67: {  	v2 =	vld.idx.msk [tilespmem:v2+s18+$0x0], $0xffff;
	_ =	sdelay $0x4  }
0x68: {  	v1 =	vadd.f32 v2, v1;
	_ =	sdelay $0x1  }
0x69: {  	v2 =	vmul.f32 $2.000000030e-01, v1  }
0x6a: {  	vm10 =	vge.f32 v1, $0.0e+00  }
0x6b: {  	v1 =	vsel vm10, v1, v2  }
0x6c: {  	v1 =	vmul.f32 $1.442695020e+00, v1;
	_ =	sdelay $0x1  }
0x6d: {  	(erf) = vpow2.f32 v1;
	_ =	sdelay $0x3  }
0x6e: {  	v1 =	vld [tilespmem:$0x4EB0]  }
0x6f: {  	v2 =	vld [tilespmem:$0x4F30];
	_ =	sdelay $0x2  }
0x70: {  	s0 =	sor.u32 $0x20, s30  }
0x71: {  	p1 =	slt.u32 s0, $0x50910;
	v3 =	vpop (erf)  }
0x72: {  	v3 =	vpsel !p1, $0x0, v3  }
0x73: {  	[tilespmem:$0x4FA0] =	vst v3  }
0x74: {  	v1 =	vld.idx.msk [tilespmem:v1+s28+$0x0], $0xffff  }
0x75: {  	v2 =	vld.idx.msk [tilespmem:v2+s18+$0x0], $0xffff;
	_ =	sdelay $0x4  }
0x76: {  	v1 =	vadd.f32 v2, v1;
	_ =	sdelay $0x1  }
0x77: {  	v2 =	vmul.f32 $2.000000030e-01, v1  }
0x78: {  	vm11 =	vge.f32 v1, $0.0e+00  }
0x79: {  	v1 =	vsel vm11, v1, v2  }
0x7a: {  	v1 =	vmul.f32 $1.442695020e+00, v1;
	_ =	sdelay $0x1  }
0x7b: {  	(erf) = vpow2.f32 v1;
	_ =	sdelay $0x3  }
0x7c: {  	v1 =	vld [tilespmem:$0x4EC0]  }
0x7d: {  	v2 =	vld [tilespmem:$0x4F40];
	_ =	sdelay $0x2  }
0x7e: {  	s0 =	sor.u32 $0x30, s30  }
0x7f: {  	p2 =	slt.u32 s0, $0x50910;
	v3 =	vpop (erf)  }
0x80: {  	v3 =	vpsel !p2, $0x0, v3  }
0x81: {  	[tilespmem:$0x4FB0] =	vst v3  }
0x82: {  	v1 =	vld.idx.msk [tilespmem:v1+s28+$0x0], $0xffff  }
0x83: {  	v2 =	vld.idx.msk [tilespmem:v2+s18+$0x0], $0xffff;
	_ =	sdelay $0x4  }
0x84: {  	v1 =	vadd.f32 v2, v1;
	_ =	sdelay $0x1  }
0x85: {  	v2 =	vmul.f32 $2.000000030e-01, v1  }
0x86: {  	vm12 =	vge.f32 v1, $0.0e+00  }
0x87: {  	v1 =	vsel vm12, v1, v2  }
0x88: {  	v1 =	vmul.f32 $1.442695020e+00, v1;
	_ =	sdelay $0x1  }
0x89: {  	(erf) = vpow2.f32 v1;
	_ =	sdelay $0x3  }
0x8a: {  	v1 =	vld [tilespmem:$0x4ED0]  }
0x8b: {  	v2 =	vld [tilespmem:$0x4F50];
	_ =	sdelay $0x2  }
0x8c: {  	s0 =	sor.u32 $0x40, s30  }
0x8d: {  	p3 =	slt.u32 s0, $0x50910;
	v3 =	vpop (erf)  }
0x8e: {  	v3 =	vpsel !p3, $0x0, v3  }
0x8f: {  	[tilespmem:$0x4FC0] =	vst v3  }
0x90: {  	v1 =	vld.idx.msk [tilespmem:v1+s28+$0x0], $0xffff  }
0x91: {  	v2 =	vld.idx.msk [tilespmem:v2+s18+$0x0], $0xffff;
	_ =	sdelay $0x4  }
0x92: {  	v1 =	vadd.f32 v2, v1;
	_ =	sdelay $0x1  }
0x93: {  	v2 =	vmul.f32 $2.000000030e-01, v1  }
0x94: {  	vm13 =	vge.f32 v1, $0.0e+00  }
0x95: {  	v1 =	vsel vm13, v1, v2  }
0x96: {  	v1 =	vmul.f32 $1.442695020e+00, v1;
	_ =	sdelay $0x1  }
0x97: {  	(erf) = vpow2.f32 v1;
	_ =	sdelay $0x3  }
0x98: {  	v1 =	vld [tilespmem:$0x4EE0]  }
0x99: {  	v2 =	vld [tilespmem:$0x4F60];
	_ =	sdelay $0x2  }
0x9a: {  	s0 =	sor.u32 $0x50, s30  }
0x9b: {  	p4 =	slt.u32 s0, $0x50910;
	v3 =	vpop (erf)  }
0x9c: {  	v3 =	vpsel !p4, $0x0, v3  }
0x9d: {  	[tilespmem:$0x4FD0] =	vst v3  }
0x9e: {  	v1 =	vld.idx.msk [tilespmem:v1+s28+$0x0], $0xffff  }
0x9f: {  	v2 =	vld.idx.msk [tilespmem:v2+s18+$0x0], $0xffff;
	_ =	sdelay $0x4  }
0xa0: {  	v1 =	vadd.f32 v2, v1;
	_ =	sdelay $0x1  }
0xa1: {  	v2 =	vmul.f32 $2.000000030e-01, v1  }
0xa2: {  	vm14 =	vge.f32 v1, $0.0e+00  }
0xa3: {  	v1 =	vsel vm14, v1, v2  }
0xa4: {  	v1 =	vmul.f32 $1.442695020e+00, v1;
	_ =	sdelay $0x1  }
0xa5: {  	(erf) = vpow2.f32 v1;
	_ =	sdelay $0x3  }
0xa6: {  	v1 =	vld [tilespmem:$0x4EF0]  }
0xa7: {  	v2 =	vld [tilespmem:$0x4F70];
	_ =	sdelay $0x2  }
0xa8: {  	s0 =	sor.u32 $0x60, s30  }
0xa9: {  	p5 =	slt.u32 s0, $0x50910;
	v3 =	vpop (erf)  }
0xaa: {  	v3 =	vpsel !p5, $0x0, v3  }
0xab: {  	[tilespmem:$0x4FE0] =	vst v3  }
0xac: {  	v1 =	vld.idx.msk [tilespmem:v1+s28+$0x0], $0xffff  }
0xad: {  	v2 =	vld.idx.msk [tilespmem:v2+s18+$0x0], $0xffff;
	_ =	sdelay $0x4  }
0xae: {  	v1 =	vadd.f32 v2, v1;
	_ =	sdelay $0x1  }
0xaf: {  	v2 =	vmul.f32 $2.000000030e-01, v1  }
0xb0: {  	vm15 =	vge.f32 v1, $0.0e+00  }
0xb1: {  	v1 =	vsel vm15, v1, v2  }
0xb2: {  	v1 =	vmul.f32 $1.442695020e+00, v1;
	_ =	sdelay $0x1  }
0xb3: {  	(erf) = vpow2.f32 v1;
	_ =	sdelay $0x7  }
0xb4: {  	s0 =	sor.u32 $0x70, s30  }
0xb5: {  	p6 =	slt.u32 s0, $0x50910;
	v2 =	vmov s28;
	v1 =	vpop (erf)  }
0xb6: {  	v1 =	vpsel !p6, $0x0, v1  }
0xb7: {  	s30 =	simm.s32 $0x5020;
	[tilespmem:$0x4FF0] =	vst v1  }
0xb8: {  	v1 =	vld [tilespmem:s30+$0xFFFFFFF0]  }
0xb9: {  	v3 =	vld [tilespmem:s30+$0x10]  }
0xba: {  	v6 =	vld.idx.msk [tilespmem:v2+s24+$0x0], $0xffff  }
0xbb: {  	v2 =	vld [tilespmem:s30+$0xFFFFFFE0]  }
0xbc: {  	v5 =	vld [tilespmem:s30+$0x0]  }
0xbd: {  	v7 =	vld [tilespmem:s30+$0x20];
	_ =	sdelay $0x2  }
0xbe: {  	v8 =	vmul.f32 v2, v6  }
0xbf: {  	s0 =	simm.s32 $0x1;
	v4 =	vmul.f32 v1, v6;
	v5 =	vmul.f32 v5, v6  }
0xc0: {  	s31 =	simm.s32 $0x5020;
	v2 =	vmul.f32 v3, v6;
	v1 =	vmov s0;
	s0 =	simm.s32 $0x2;
	v3 =	vmul.f32 v7, v6;
	[tilespmem:s30+$0xFFFFFFE0] =	vst v8  }
.LBB2_5:
0xc1: {  	p0 =	sne.s32 s0, $0x7F;
	[tilespmem:s30+$0xFFFFFFF0] =	vst v4  }
0xc2: {  	s30 =	sadd.s32 $0x50, s30;
	[tilespmem:s31+$0x0] =	vst v5  }
0xc3: {  	v4 =	vld [tilespmem:s30+$0xFFFFFFF0];
	[tilespmem:s31+$0x10] =	vst v2  }
0xc4: {  	v2 =	vld [tilespmem:s30+$0x10];
	[tilespmem:s31+$0x20] =	vst v3;
	s31 =	smov.u32 s30  }
0xc5: {  	v3 =	vld.idx.msk [tilespmem:v1+s24+$0x0], $0xffff  }
0xc6: {  	v1 =	vld [tilespmem:s30+$0xFFFFFFE0]  }
0xc7: {  	v5 =	vld [tilespmem:s30+$0x0]  }
0xc8: {  	v6 =	vld [tilespmem:s30+$0x20]  }
.Ltmp1:
0xc9: {  	(pc) =	sbr.rel @p0 .LBB2_5-.Ltmp1, $4  }
0xca: {  	_ = 	snop  }
0xcb: {  	v4 =	vmul.f32 v4, v3;
	v7 =	vmul.f32 v1, v3  }
0xcc: {  	v2 =	vmul.f32 v2, v3;
	v5 =	vmul.f32 v5, v3  }
0xcd: {  	v1 =	vmov s0;
	s0 =	sadd.s32 $0x1, s0;
	[tilespmem:s30+$0xFFFFFFE0] =	vst v7;
	v3 =	vmul.f32 v6, v3  }
0xce: {  	[tilespmem:s30+$0xFFFFFFF0] =	vst v4  }
0xcf: {  	s0 =	sadd.s32 $0x50, s30;
	[tilespmem:s31+$0x0] =	vst v5  }
0xd0: {  	v4 =	vld [tilespmem:s0+$0xFFFFFFF0];
	[tilespmem:s31+$0x10] =	vst v2  }
0xd1: {  	v2 =	vld [tilespmem:s0+$0x10]  }
0xd2: {  	[tilespmem:s31+$0x20] =	vst v3;
	v3 =	vld [tilespmem:s0+$0xFFFFFFE0]  }
0xd3: {  	v1 =	vld.idx.msk [tilespmem:v1+s24+$0x0], $0xffff;
	_ =	sdelay $0x1  }
0xd4: {  	v5 =	vld [tilespmem:s0+$0x0];
	_ =	sdelay $0x1  }
0xd5: {  	v6 =	vld [tilespmem:s0+$0x20]  }
0xd6: {  	v3 =	vmul.f32 v3, v1  }
0xd7: {  	v4 =	vmul.f32 v4, v1  }
0xd8: {  	v5 =	vmul.f32 v5, v1;
	[tilespmem:s0+$0xFFFFFFE0] =	vst v3  }
0xd9: {  	v2 =	vmul.f32 v2, v1;
	[tilespmem:s0+$0xFFFFFFF0] =	vst v4  }
0xda: {  	s29 =	sadd.s32 $0x1, s29;
	v1 =	vmul.f32 v6, v1;
	[tilespmem:s0+$0x0] =	vst v5  }
0xdb: {  	p0 =	sne.s32 s29, $0x51;
	[tilespmem:s0+$0x10] =	vst v2  }
.Ltmp2:
0xdc: {  	[tilespmem:s0+$0x20] =	vst v1;
	(pc) =	sbr.rel @p0 .LBB2_4-.Ltmp2, $4  }
0xdd: {  	[spmem:s4] =	stream.indirect.scatter.add.f32 [tilespmem:s19], [sflag:$0x2], $0x50, s21, s22, $0xb8;
	[tilespmem:$0x13C40] =	vst v63  }
0xde: {  	_ =	swait.ge [sflag:s17], $0x2800  }
0xdf: {  	[sflag:s17] =	ssyncset.done $0x0  }
0xe0: {  	[sflag:s17] =	ssyncadd.s32 $0xFFFFD800  }
0xe1: {  	s26 =	sadd.s32 $0x1, s26  }
0xe2: {  	p0 =	sne.s32 s26, s16  }
.Ltmp3:
0xe3: {  	[bflag:$0x0] =	sbarrier.arrive $0xFFFF;
	s0 =	sshrl.u32 s9, $0x3;
	(pc) =	sbr.rel @p0 .LBB2_1-.Ltmp3, $4  }
0xe4: {  	[hbm:s15], [sflag:s25] =	dma.local [spmem:s0], $0x1888  }
0xe5: {  	_ =	swait.ge [sflag:s17], $0x1888  }
0xe6: {  	[sflag:s17] =	ssyncset.done $0x0  }
0xe7: {  	[sflag:s17] =	ssyncadd.s32 $0xFFFFE778  }
0xe8: {  	_ =	sfence.sel $0x180000  }
0xe9: {  	[bflag:$0x0] =	sbarrier.arrive $0xFFFF  }
0xea: {  	_ =	strace $0x9000004A  }
0xeb: {  	[bflag:$0x2] =	sbarrier.arrive $0xFFFF  }
0xec: {  	p0 =	sne.s32 s2, $0x0;
	s0 =	rddreg [dreg:$0x3]  }
0xed: {  	s0 =	sadd.s32 @!p0 $0x100000, s0  }
0xee: {  	[sflag:s0] =	ssyncadd.tile.s32 @!p0 $0x1;
	_ =	shalt  }
.Lfunc_end2:
_tile_overlayer_lowered:
.L_overlay_start_2:
0xef: {  	(tag) =	ssettag $0x2  }
0xf0: {  	s0 =	rddreg [dreg:$0x0];
	s2 =	stileid.u32  }
0xf1: {  	s1 =	rddreg [dreg:$0x1];
	p0 =	sne.s32 s2, $0x0  }
0xf2: {  	s3 =	rddreg [dreg:$0x2];
	[bflag:$0x3] =	sbarrier.arrive $0xFFFF;
	s2 =	simm.s32 @!p0 $0x1C02  }
0xf3: {  	[timem:s3], [sflag:s2] =	dma.local @!p0 [hbm:s0], s1  }
0xf4: {  	s0 =	simm.s32 @!p0 $0x2  }
0xf5: {  	_ =	swait.ge @!p0 [sflag:s0], s1  }
0xf6: {  	s1 =	ssub.s32 @!p0 $0x0, s1;
	[sflag:s0] =	ssyncset.done @!p0 $0x0  }
0xf7: {  	[sflag:s0] =	ssyncadd.s32 @!p0 s1  }
0xf8: {  	[bflag:$0x3] =	sbarrier.arrive $0xFFFF  }
0xf9: {  	_ =	shalt  }

// kernel: kernel.7.cloned.1.call-start
scs
__scs_entry_jumppad:
0x0: {  	(pc) =	sbr.rel $0x88, $3  }
0x1: {  	(tag) =	ssettag $0x0;
	lr =	simm.s32 $0x1  }
0x2: {  	[smem:$0x3F97] =	sst lr;
	_ =	strace $0xD0000000  }
0x3: {  	_ = 	snop  }
0x4: {  	_ = 	snop  }
0x5: {  	_ = 	snop  }
0x6: {  	_ = 	snop  }
0x7: {  	_ = 	snop  }
__scs_overlays_trampoline_lowered:
0x8: {  	[smem:$0x3FA6] =	sst s0  }
0x9: {  	[smem:$0x3FA7] =	sst s1  }
0xa: {  	[smem:$0x3FA8] =	sst s2  }
0xb: {  	[smem:$0x3FA9] =	sst s3  }
0xc: {  	[smem:$0x3FAA] =	sst s4  }
0xd: {  	[smem:$0x3FAB] =	sst s5  }
0xe: {  	[smem:$0x3FAC] =	sst s6  }
0xf: {  	[smem:$0x3FAD] =	sst s7  }
0x10: {  	[smem:$0x3FAE] =	sst s8  }
0x11: {  	[smem:$0x3FAF] =	sst s9;
	s0 =	simm.s32 @!p0 $0x0  }
0x12: {  	s1 =	sld [smem:$0x3F95];
	s0 =	simm.s32 @p0 $0x1  }
0x13: {  	[smem:$0x3FB0] =	sst s0;
	s0 =	simm.s32 @!p1 $0x0  }
0x14: {  	s2 =	sld [smem:$0x3F94];
	s0 =	simm.s32 @p1 $0x1  }
0x15: {  	[smem:$0x3FB1] =	sst s0;
	s0 =	simm.s32 @!p2 $0x0  }
0x16: {  	s3 =	sld [smem:$0x3FDB];
	s0 =	simm.s32 @p2 $0x1  }
0x17: {  	s4 =	simm.s32 $0x1BF5;
	[smem:$0x3FB3] =	sst s0  }
0x18: {  	s0 =	sld [smem:$0x3F96];
	_ =	swait.ge [sflag:s4], $0x0  }
0x19: {  	s7 =	sld [smem:$0x3F97]  }
0x1a: {  	s8 =	sadd.s32 $0xFFFFE003, lr  }
0x1b: {  	s9 =	sadd.s32 $0xFFFFFEF7, lr;
	s5 =	simm.s32 $0xFFFFFFFF;
	p2 =	slt.u32 s8, $0xFFFFF086  }
0x1c: {  	p1 =	slt.u32 s9, $0xF7A;
	s5 =	simm.s32 @!p2 $0x0  }
0x1d: {  	s5 =	simm.s32 @p1 $0x1;
	p0 =	seq.s32 s7, s2  }
0x1e: {  	s7 =	smul.u32 @!p0 $0xF7A, s2;
	p2 =	seq.s32 @!p0 s5, $0x0  }
0x1f: {  	s9 =	smul.u32 $0xF7A, s1;
	s8 =	simm.s32 @!p0 $0x1BF5;
	p2 =	por !p2, p0  }
0x20: {  	[sflag:s8] =	ssyncset.s32 @!p0 $0xFFFFF086;
	s6 =	sadd.s32 @!p0 s3, s7;
	s7 =	simm.s32 @!p0 $0x108  }
0x21: {  	s3 =	sadd.s32 s3, s9;
	s6 =	sadd.s32 @!p0 $0x88, s6;
	s7 =	simm.s32 @p2 $0x1082  }
0x22: {  	[simem:s7], [sflag:s8] =	dma.local @!p0 [hbm:s6], $0xF7A  }
0x23: {  	s9 =	sor.u32 $0xD0000000, s2;
	s6 =	simm.s32 $0x108;
	_ =	swait.ge @!p0 [sflag:s8], $0x0  }
0x24: {  	s3 =	sadd.s32 $0x88, s3;
	s6 =	simm.s32 @!p1 $0x1082;
	[sflag:s4] =	ssyncset.s32 $0xFFFFF086  }
0x25: {  	[simem:s6], [sflag:s4] =	dma.local [hbm:s3], $0xF7A  }
0x26: {  	[smem:$0x3F97] =	sst s1;
	(tag) =	ssettag s2;
	_ =	strace s9  }
0x27: {  	s1 =	sld [smem:$0x3FA7]  }
0x28: {  	s2 =	sld [smem:$0x3FA8]  }
0x29: {  	s4 =	sld [smem:$0x3FAA]  }
0x2a: {  	p0 =	seq.s32 s5, $0x0;
	s5 =	sld [smem:$0x3FAB]  }
0x2b: {  	s6 =	sld [smem:$0x3FAC]  }
0x2c: {  	s7 =	sld [smem:$0x3FAD]  }
0x2d: {  	s3 =	simm.s32 $0x108;
	s8 =	sld [smem:$0x3FAE]  }
0x2e: {  	s3 =	simm.s32 @!p0 $0x1082;
	s9 =	sld [smem:$0x3FAF]  }
0x2f: {  	lr =	sadd.s32 s0, s3;
	s0 =	sld [smem:$0x3FA6]  }
0x30: {  	s3 =	sld [smem:$0x3FA9]  }
0x31: {  	[smem:$0x3FB2] =	sst s10  }
0x32: {  	s10 =	sld [smem:$0x3FB0];
	_ =	sdelay $0x3  }
0x33: {  	p0 =	seq.s32 s10, $0x1;
	s10 =	sld [smem:$0x3FB2];
	_ =	sdelay $0x3  }
0x34: {  	[smem:$0x3FB2] =	sst s10  }
0x35: {  	s10 =	sld [smem:$0x3FB1];
	_ =	sdelay $0x3  }
0x36: {  	p1 =	seq.s32 s10, $0x1;
	s10 =	sld [smem:$0x3FB2];
	_ =	sdelay $0x3  }
0x37: {  	[smem:$0x3FB2] =	sst s10  }
0x38: {  	s10 =	sld [smem:$0x3FB3]  }
0x39: {  	_ = 	snop;
	(pc) =	sbr.ind lr, $3  }
0x3a: {  	_ = 	snop  }
0x3b: {  	_ = 	snop  }
0x3c: {  	p2 =	seq.s32 s10, $0x1;
	s10 =	sld [smem:$0x3FB2]  }
0x3d: {  	_ =	shalt  }
0x3e: {  	_ =	shalt  }
0x3f: {  	_ =	shalt  }
0x40: {  	_ =	shalt  }
0x41: {  	_ =	shalt  }
0x42: {  	_ =	shalt  }
0x43: {  	_ =	shalt  }
0x44: {  	_ =	shalt  }
0x45: {  	_ =	shalt  }
0x46: {  	_ =	shalt  }
0x47: {  	_ =	shalt  }
0x48: {  	_ =	shalt  }
0x49: {  	_ =	shalt  }
0x4a: {  	_ =	shalt  }
0x4b: {  	_ =	shalt  }
0x4c: {  	_ =	shalt  }
0x4d: {  	_ =	shalt  }
0x4e: {  	_ =	shalt  }
0x4f: {  	_ =	shalt  }
0x50: {  	_ =	shalt  }
0x51: {  	_ =	shalt  }
0x52: {  	_ =	shalt  }
0x53: {  	_ =	shalt  }
0x54: {  	_ =	shalt  }
0x55: {  	_ =	shalt  }
0x56: {  	_ =	shalt  }
0x57: {  	_ =	shalt  }
0x58: {  	_ =	shalt  }
0x59: {  	_ =	shalt  }
0x5a: {  	_ =	shalt  }
0x5b: {  	_ =	shalt  }
0x5c: {  	_ =	shalt  }
0x5d: {  	_ =	shalt  }
0x5e: {  	_ =	shalt  }
0x5f: {  	_ =	shalt  }
0x60: {  	_ =	shalt  }
0x61: {  	_ =	shalt  }
0x62: {  	_ =	shalt  }
0x63: {  	_ =	shalt  }
0x64: {  	_ =	shalt  }
0x65: {  	_ =	shalt  }
0x66: {  	_ =	shalt  }
0x67: {  	_ =	shalt  }
0x68: {  	_ =	shalt  }
0x69: {  	_ =	shalt  }
0x6a: {  	_ =	shalt  }
0x6b: {  	_ =	shalt  }
0x6c: {  	_ =	shalt  }
0x6d: {  	_ =	shalt  }
0x6e: {  	_ =	shalt  }
0x6f: {  	_ =	shalt  }
0x70: {  	_ =	shalt  }
0x71: {  	_ =	shalt  }
0x72: {  	_ =	shalt  }
0x73: {  	_ =	shalt  }
0x74: {  	_ =	shalt  }
0x75: {  	_ =	shalt  }
0x76: {  	_ =	shalt  }
0x77: {  	_ =	shalt  }
0x78: {  	_ =	shalt  }
0x79: {  	_ =	shalt  }
0x7a: {  	_ =	shalt  }
0x7b: {  	_ =	shalt  }
0x7c: {  	_ =	shalt  }
0x7d: {  	_ =	shalt  }
0x7e: {  	_ =	shalt  }
0x7f: {  	_ =	shalt  }
0x80: {  	_ =	shalt  }
0x81: {  	_ =	shalt  }
0x82: {  	_ =	shalt  }
0x83: {  	_ =	shalt  }
0x84: {  	_ =	shalt  }
0x85: {  	_ =	shalt  }
0x86: {  	_ =	shalt  }
0x87: {  	_ =	shalt  }
.Lfunc_end0:
.L_simem_size_0:
called_computation_lowered:
.L_overlay_start_0:
0x88: {  	s2 =	sld [smem:$0x3FD9]  }
0x89: {  	s3 =	sld [smem:$0x3FFE];
	_ =	sdelay $0x1  }
0x8a: {  	s1 =	srdreg.scid  }
0x8b: {  	s0 =	sand.u32 $0x1, s1  }
0x8c: {  	s17 =	sshll.u32 s0, $0xA;
	s2 =	sadd.s32 s3, s2  }
0x8d: {  	s2 =	sadd.s32 s2, s17  }
0x8e: {  	[smem:$0x3FBE] =	sst s2  }
0x8f: {  	_ = 	snop  }
0x90: {  	s2 =	sld [smem:$0x3FD0];
	(tm) =	ssettm $0x1  }
0x91: {  	s18 =	sld [smem:$0x3FFB];
	_ =	sdelay $0x3  }
0x92: {  	_ =	strace s18  }
0x93: {  	s3 =	sld [smem:$0x3FFC];
	_ =	sdelay $0x3  }
0x94: {  	_ =	strace s3  }
0x95: {  	s3 =	sld [smem:$0x3FFD];
	_ =	sdelay $0x3  }
0x96: {  	_ =	strace s3  }
0x97: {  	_ =	strace $0x8FFFFFFF  }
0x98: {  	s19 =	sld [smem:$0x3FDB];
	_ =	sdelay $0x1  }
0x99: {  	s4 =	simm.s32 $_scs_section_size  }
0x9a: {  	s5 =	simm.s32 $_size__tile_overlayer_lowered;
	s6 =	simm.s32 $_tile_overlayer_lowered  }
0x9b: {  	s22 =	simm.s32 $0x1BFF;
	s21 =	sshll.u32 s6, $0x1;
	s3 =	sadd.s32 s4, s19  }
0x9c: {  	s7 =	simm.s32 $0x0;
	s20 =	sshll.u32 s5, $0x1;
	s5 =	sadd.s32 s21, s3  }
0x9d: {  	[timem:s7], [sflag:s22] =	dma.local [hbm:s5], s20  }
0x9e: {  	_ =	swait.ge [sflag:s22], s20  }
0x9f: {  	s4 =	ssub.s32 $0x0, s20;
	[sflag:s22] =	ssyncset.done $0x0  }
0xa0: {  	[sflag:s22] =	ssyncadd.s32 s4;
	_ =	sdelay $0x1  }
0xa1: {  	s23 =	simm.s32 $0x1B8B  }
0xa2: {  	_ =	swait.ge [sflag:s23], $0x1  }
0xa3: {  	[sflag:s23] =	ssyncset.done $0x0  }
0xa4: {  	s25 =	simm.s32 $0x1B8E;
	s24 =	sld [smem:$0x3FFE];
	[sflag:s23] =	ssyncadd.s32 $0xFFFFFFFF  }
0xa5: {  	s26 =	simm.s32 $execute0_lowered;
	[smem:$0x3FD2] =	sst s25  }
0xa6: {  	s5 =	sshll.u32 s26, $0x1;
	_ =	strace $0x80000046;
	[dreg:$0x1] =	wrdreg $0xFFFFFFFF  }
0xa7: {  	s28 =	simm.s32 $_size_execute0_lowered;
	s3 =	sadd.s32 s3, s5;
	[dreg:$0x0] =	wrdreg $0x0  }
0xa8: {  	s5 =	sshll.u32 s28, $0x1;
	[dreg:$0x2] =	wrdreg s3  }
0xa9: {  	[dreg:$0x3] =	wrdreg s5  }
0xaa: {  	[dreg:$0x4] =	wrdreg $0xC0  }
0xab: {  	_ =	task [dreg:s7], $0x5FFFF  }
0xac: {  	[dreg:$0x1] =	wrdreg $0xFFFFFFFF  }
0xad: {  	[dreg:$0x0] =	wrdreg $0x60  }
0xae: {  	[dreg:$0x2] =	wrdreg s24  }
0xaf: {  	[dreg:$0x3] =	wrdreg s2  }
0xb0: {  	[dreg:$0x4] =	wrdreg $0x98000  }
0xb1: {  	[dreg:$0x5] =	wrdreg $0x9  }
0xb2: {  	_ =	task.clear_ibuf [dreg:s7], $0x6FFFF;
	_ =	strace $0x90000046  }
0xb3: {  	s29 =	simm.s32 $0x9;
	_ =	strace $0x80000048  }
0xb4: {  	_ =	swait.ge [sflag:s29], $0x1  }
0xb5: {  	[sflag:s29] =	ssyncadd.s32 $0xFFFFFFFF  }
0xb6: {  	_ =	strace $0x90000048  }
0xb7: {  	_ =	sfence  }
0xb8: {  	s30 =	sld [smem:$0x0];
	_ =	sdelay $0x2  }
0xb9: {  	s31 =	sshll.u32 s1, $0xD;
	s1 =	sshrl.u32 s1, $0x2  }
0xba: {  	s3 =	sand.u32 $0x4000, s31;
	s1 =	sadd.s32 s1, s30  }
0xbb: {  	s0 =	sor.u32 s3, s0;
	s1 =	sshll.u32 s1, $0x11  }
0xbc: {  	s0 =	sor.u32 s1, s0  }
0xbd: {  	s0 =	sadd.s32 $0x8F2B, s0  }
0xbe: {  	[sflag:s0] =	ssyncadd.remote.s32 $0x1  }
0xbf: {  	_ =	sfence.sel $0xFFFF  }
0xc0: {  	[dreg:$0x0] =	wrdreg $0xFFFFFFFF;
	(pc) =	sbr.abs _section_cstart, $3  }
0xc1: {  	[dreg:$0x1] =	wrdreg $0xFFFFFFFF  }
0xc2: {  	_ =	task.clear_ibuf [dreg:s7], $0x2FFFF;
	_ =	strace $0x9FFFFFFF  }
0xc3: {  	(tm) =	ssettm $0x7FFFFFFF  }
tec
execute0_lowered:
.L_overlay_start_1:
0x0: {  	(tag) =	ssettag $0x1  }
0x1: {  	s0 =	rddreg [dreg:$0x0]  }
0x2: {  	s1 =	rddreg [dreg:$0x1]  }
0x3: {  	s2 =	rddreg [dreg:$0x2];
	s3 =	simm.s32 $0x0;
	s4 =	srdreg.scid  }
0x4: {  	s29 =	stileid.u32;
	s18 =	simm.s32 $0x2;
	s19 =	simm.s32 $0x2740  }
0x5: {  	s20 =	simm.s32 $0x5000;
	s21 =	simm.s32 $0x4E80;
	s22 =	simm.s32 $0x4F00  }
0x6: {  	s23 =	simm.s32 $0x80;
	s25 =	simm.s32 $0x4F80;
	s7 =	smul.u32 $0x2C28, s29  }
0x7: {  	s26 =	simm.s32 $0x0;
	s12 =	sand.u32 $0x1, s4;
	s11 =	smul.u32 $0x58500, s29  }
0x8: {  	[smem:$0x7FF] =	sst s3;
	s5 =	sadd.s32 $0x9C400, s0;
	s24 =	smul.u32 $0x2710, s12  }
0x9: {  	s6 =	sadd.s32 $0xA200, s0;
	s8 =	smul.u32 $0x2C280, s12;
	s10 =	ssub.s32 $0x2, s12  }
0xa: {  	_ =	strace $0x80000047;
	s15 =	smul.u32 $0x51000, s12;
	s30 =	sshrl.u32 s10, $0x1  }
0xb: {  	s31 =	sshrl.u32 s11, $0x2;
	s9 =	sshrl.u32 s24, $0x3;
	s7 =	sadd.s32 s7, s8  }
0xc: {  	s17 =	ssub.s32 s10, s30;
	s8 =	sadd.s32 s31, s2;
	v0 =	vmov s24;
	s24 =	simm.s32 $0x1  }
0xd: {  	s13 =	sadd.s32 s9, s0;
	s0 =	sadd.s32 s7, s0;
	s9 =	smul.u32 $0x5100, s29  }
0xe: {  	s11 =	sadd.s32 $0x4800, s8;
	s12 =	sadd.s32 $0x9000, s8;
	s14 =	sadd.s32 $0x12000, s8  }
0xf: {  	s17 =	smax.u32 s17, $0x1;
	s7 =	sadd.s32 $0x1E600, s13;
	s10 =	sadd.s32 $0x1F000, s13  }
0x10: {  	v1 =	vimm.f32 $0.0e+00;
	s13 =	sadd.s32 $0xD800, s8;
	s16 =	sadd.s32 $0x1FA00, s0;
	s15 =	sadd.s32 s9, s15  }
.LBB2_1:
0x11: {  	[tilespmem:s3], [sflag:$0x2] =	stream.linear.gather [hbm4b:s7+s3], $0x2710, $0x38;
	[tilespmem:$0x1F940] =	vst v63  }
0x12: {  	_ =	swait.ge [sflag:s18], $0x2710  }
0x13: {  	[sflag:s18] =	ssyncset.done $0x0  }
0x14: {  	[sflag:s18] =	ssyncadd.s32 $0xFFFFD8F0  }
0x15: {  	[tilespmem:s19], [sflag:$0x2] =	stream.linear.gather [hbm4b:s10+s3], $0x2710, $0x38;
	[tilespmem:$0x1F940] =	vst v63  }
0x16: {  	_ =	swait.ge [sflag:s18], $0x2710  }
0x17: {  	[sflag:s18] =	ssyncset.done $0x0  }
0x18: {  	s0 =	simm.s32 $0x0;
	s28 =	simm.s32 $0x240;
	[sflag:s18] =	ssyncadd.s32 $0xFFFFD8F0  }
.LBB2_2:
0x19: {  	p0 =	sne.s32 s28, $0x11DC0;
	[tilespmem:s0+$0x5080] =	vst v1  }
0x1a: {  	[tilespmem:s0+$0x5000] =	vst v1  }
0x1b: {  	[tilespmem:s0+$0x5010] =	vst v1  }
0x1c: {  	[tilespmem:s0+$0x5020] =	vst v1  }
.Ltmp0:
0x1d: {  	[tilespmem:s0+$0x5030] =	vst v1;
	(pc) =	sbr.rel @p0 .LBB2_2-.Ltmp0, $4  }
0x1e: {  	[tilespmem:s0+$0x5040] =	vst v1  }
0x1f: {  	[tilespmem:s0+$0x5050] =	vst v1  }
0x20: {  	[tilespmem:s0+$0x5060] =	vst v1  }
0x21: {  	[tilespmem:s0+$0x5070] =	vst v1;
	s0 =	sshra.s32 s28, $0x2;
	s28 =	sadd.s32 $0x240, s28  }
0x22: {  	[tilespmem:s0+$0x5080] =	vst v1  }
0x23: {  	[tilespmem:s0+$0x5000] =	vst v1  }
0x24: {  	[tilespmem:s0+$0x5010] =	vst v1  }
0x25: {  	[tilespmem:s0+$0x5020] =	vst v1  }
0x26: {  	[tilespmem:s0+$0x5030] =	vst v1  }
0x27: {  	[tilespmem:s0+$0x5040] =	vst v1  }
0x28: {  	[tilespmem:s0+$0x5050] =	vst v1  }
0x29: {  	[tilespmem:s0+$0x5060] =	vst v1  }
0x2a: {  	[tilespmem:s0+$0x5070] =	vst v1  }
0x2b: {  	[spmem:s8] =	stream.linear.scatter [tilespmem:s20], [sflag:$0x2], $0x4800, $0x38;
	[tilespmem:$0x1F940] =	vst v63  }
0x2c: {  	_ =	swait.ge [sflag:s18], $0x4800  }
0x2d: {  	[sflag:s18] =	ssyncset.done $0x0  }
0x2e: {  	[sflag:s18] =	ssyncadd.s32 $0xFFFFB800  }
0x2f: {  	[spmem:s11] =	stream.linear.scatter [tilespmem:s20], [sflag:$0x2], $0x4800, $0x38;
	[tilespmem:$0x1F940] =	vst v63  }
0x30: {  	_ =	swait.ge [sflag:s18], $0x4800  }
0x31: {  	[sflag:s18] =	ssyncset.done $0x0  }
0x32: {  	[sflag:s18] =	ssyncadd.s32 $0xFFFFB800  }
0x33: {  	[spmem:s12] =	stream.linear.scatter [tilespmem:s20], [sflag:$0x2], $0x4800, $0x38;
	[tilespmem:$0x1F940] =	vst v63  }
0x34: {  	_ =	swait.ge [sflag:s18], $0x4800  }
0x35: {  	[sflag:s18] =	ssyncset.done $0x0  }
0x36: {  	[sflag:s18] =	ssyncadd.s32 $0xFFFFB800  }
0x37: {  	[spmem:s13] =	stream.linear.scatter [tilespmem:s20], [sflag:$0x2], $0x4800, $0x38;
	[tilespmem:$0x1F940] =	vst v63  }
0x38: {  	_ =	swait.ge [sflag:s18], $0x4800  }
0x39: {  	[sflag:s18] =	ssyncset.done $0x0  }
0x3a: {  	[sflag:s18] =	ssyncadd.s32 $0xFFFFB800  }
0x3b: {  	[spmem:s14] =	stream.linear.scatter [tilespmem:s20], [sflag:$0x2], $0x4140, $0x38;
	[tilespmem:$0x1F940] =	vst v63  }
0x3c: {  	_ =	swait.ge [sflag:s18], $0x4140  }
0x3d: {  	[sflag:s18] =	ssyncset.done $0x0  }
0x3e: {  	[sflag:s18] =	ssyncadd.s32 $0xFFFFBEC0  }
0x3f: {  	s28 =	simm.s32 $0x0;
	s29 =	simm.s32 $0x0;
	[bflag:$0x0] =	sbarrier.arrive $0xFFFF  }
.LBB2_4:
0x40: {  	s0 =	sshll.u32 s29, $0x7  }
0x41: {  	s30 =	sadd.s32 s0, s15  }
0x42: {  	s30 =	sshrl.u32 s30, $0x3  }
0x43: {  	s30 =	sadd.s32 s6, s30  }
0x44: {  	[tilespmem:s21], [sflag:$0x2] =	stream.linear.gather [hbm4b:s30+s28], $0x80, $0x38;
	[tilespmem:$0x1F940] =	vst v63  }
0x45: {  	s30 =	sadd.s32 s9, s0;
	_ =	swait.ge [sflag:s18], $0x80  }
0x46: {  	s0 =	sshrl.u32 s30, $0x3;
	[sflag:s18] =	ssyncset.done $0x0  }
0x47: {  	s0 =	sadd.s32 s1, s0;
	[sflag:s18] =	ssyncadd.s32 $0xFFFFFF80  }
0x48: {  	[tilespmem:s22], [sflag:$0x2] =	stream.linear.gather [hbm4b:s0+s28], $0x80, $0x38;
	[tilespmem:$0x1F940] =	vst v63  }
0x49: {  	_ =	swait.ge [sflag:s18], $0x80  }
0x4a: {  	[sflag:s18] =	ssyncset.done $0x0  }
0x4b: {  	[sflag:s18] =	ssyncadd.s32 $0xFFFFFF80  }
0x4c: {  	[tilespmem:s20], [sflag:$0x1] =	stream.indirect.gather [hbm4b:s5+s23], $0x90, s21, s23, $0xb8;
	[tilespmem:$0x1F940] =	vst v63  }
0x4d: {  	_ =	swait.ge [sflag:s24], $0x4800  }
0x4e: {  	[sflag:s24] =	ssyncset.done $0x0  }
0x4f: {  	[sflag:s24] =	ssyncadd.s32 $0xFFFFB800  }
0x50: {  	v2 =	vld [tilespmem:$0x4E80];
	_ =	sdelay $0x2  }
0x51: {  	v4 =	vld [tilespmem:$0x4F00];
	_ =	sdelay $0x1  }
0x52: {  	v3 =	vsub.s32 v2, v0  }
0x53: {  	v2 =	vand.u32 $0x7, v2;
	v3 =	vand.u32 $0xFFFFFFF8, v3  }
0x54: {  	v2 =	vor.u32 v2, v3;
	_ =	sdelay $0x3  }
0x55: {  	v3 =	vld.idx.msk [tilespmem:v4+s19+$0x0], $0xffff  }
0x56: {  	v2 =	vld.idx.msk [tilespmem:v2+s28+$0x0], $0xffff;
	_ =	sdelay $0x4  }
0x57: {  	v2 =	vadd.f32 v3, v2;
	_ =	sdelay $0x1  }
0x58: {  	v3 =	vmul.f32 $2.000000030e-01, v2  }
0x59: {  	vm0 =	vge.f32 v2, $0.0e+00  }
0x5a: {  	v2 =	vsel vm0, v2, v3  }
0x5b: {  	v2 =	vmul.f32 $1.442695020e+00, v2;
	_ =	sdelay $0x1  }
0x5c: {  	(erf) = vpow2.f32 v2;
	v2 =	vld [tilespmem:$0x4E90];
	_ =	sdelay $0x4  }
0x5d: {  	v4 =	vld [tilespmem:$0x4F10];
	v3 =	vsub.s32 v2, v0  }
0x5e: {  	v2 =	vand.u32 $0x7, v2;
	v3 =	vand.u32 $0xFFFFFFF8, v3  }
0x5f: {  	v2 =	vor.u32 v2, v3;
	_ =	sdelay $0x1  }
0x60: {  	p0 =	slt.u32 s30, $0x50910;
	v3 =	vpop (erf)  }
0x61: {  	v3 =	vpsel !p0, $0x0, v3  }
0x62: {  	[tilespmem:$0x4F80] =	vst v3  }
0x63: {  	v2 =	vld.idx.msk [tilespmem:v2+s28+$0x0], $0xffff  }
0x64: {  	v3 =	vld.idx.msk [tilespmem:v4+s19+$0x0], $0xffff;
	_ =	sdelay $0x4  }
0x65: {  	v2 =	vadd.f32 v3, v2;
	_ =	sdelay $0x1  }
0x66: {  	v3 =	vmul.f32 $2.000000030e-01, v2  }
0x67: {  	vm9 =	vge.f32 v2, $0.0e+00  }
0x68: {  	v2 =	vsel vm9, v2, v3  }
0x69: {  	v2 =	vmul.f32 $1.442695020e+00, v2;
	_ =	sdelay $0x1  }
0x6a: {  	(erf) = vpow2.f32 v2;
	v2 =	vld [tilespmem:$0x4EA0];
	_ =	sdelay $0x4  }
0x6b: {  	v4 =	vld [tilespmem:$0x4F20];
	v3 =	vsub.s32 v2, v0  }
0x6c: {  	v2 =	vand.u32 $0x7, v2;
	v3 =	vand.u32 $0xFFFFFFF8, v3  }
0x6d: {  	v2 =	vor.u32 v2, v3  }
0x6e: {  	s4 =	sor.u32 $0x10, s30  }
0x6f: {  	p6 =	slt.u32 s4, $0x50910;
	v3 =	vpop (erf)  }
0x70: {  	v3 =	vpsel !p6, $0x0, v3  }
0x71: {  	[tilespmem:$0x4F90] =	vst v3  }
0x72: {  	v2 =	vld.idx.msk [tilespmem:v2+s28+$0x0], $0xffff  }
0x73: {  	v3 =	vld.idx.msk [tilespmem:v4+s19+$0x0], $0xffff;
	_ =	sdelay $0x4  }
0x74: {  	v2 =	vadd.f32 v3, v2;
	_ =	sdelay $0x1  }
0x75: {  	v3 =	vmul.f32 $2.000000030e-01, v2  }
0x76: {  	vm10 =	vge.f32 v2, $0.0e+00  }
0x77: {  	v2 =	vsel vm10, v2, v3  }
0x78: {  	v2 =	vmul.f32 $1.442695020e+00, v2;
	_ =	sdelay $0x1  }
0x79: {  	(erf) = vpow2.f32 v2;
	v2 =	vld [tilespmem:$0x4EB0];
	_ =	sdelay $0x4  }
0x7a: {  	v4 =	vld [tilespmem:$0x4F30];
	v3 =	vsub.s32 v2, v0  }
0x7b: {  	v2 =	vand.u32 $0x7, v2;
	v3 =	vand.u32 $0xFFFFFFF8, v3  }
0x7c: {  	v2 =	vor.u32 v2, v3  }
0x7d: {  	s4 =	sor.u32 $0x20, s30  }
0x7e: {  	p1 =	slt.u32 s4, $0x50910;
	v3 =	vpop (erf)  }
0x7f: {  	v3 =	vpsel !p1, $0x0, v3  }
0x80: {  	[tilespmem:$0x4FA0] =	vst v3  }
0x81: {  	v2 =	vld.idx.msk [tilespmem:v2+s28+$0x0], $0xffff  }
0x82: {  	v3 =	vld.idx.msk [tilespmem:v4+s19+$0x0], $0xffff;
	_ =	sdelay $0x4  }
0x83: {  	v2 =	vadd.f32 v3, v2;
	_ =	sdelay $0x1  }
0x84: {  	v3 =	vmul.f32 $2.000000030e-01, v2  }
0x85: {  	vm11 =	vge.f32 v2, $0.0e+00  }
0x86: {  	v2 =	vsel vm11, v2, v3  }
0x87: {  	v2 =	vmul.f32 $1.442695020e+00, v2;
	_ =	sdelay $0x1  }
0x88: {  	(erf) = vpow2.f32 v2;
	v2 =	vld [tilespmem:$0x4EC0];
	_ =	sdelay $0x4  }
0x89: {  	v4 =	vld [tilespmem:$0x4F40];
	v3 =	vsub.s32 v2, v0  }
0x8a: {  	v2 =	vand.u32 $0x7, v2;
	v3 =	vand.u32 $0xFFFFFFF8, v3  }
0x8b: {  	v2 =	vor.u32 v2, v3  }
0x8c: {  	s4 =	sor.u32 $0x30, s30  }
0x8d: {  	p2 =	slt.u32 s4, $0x50910;
	v3 =	vpop (erf)  }
0x8e: {  	v3 =	vpsel !p2, $0x0, v3  }
0x8f: {  	[tilespmem:$0x4FB0] =	vst v3  }
0x90: {  	v2 =	vld.idx.msk [tilespmem:v2+s28+$0x0], $0xffff  }
0x91: {  	v3 =	vld.idx.msk [tilespmem:v4+s19+$0x0], $0xffff;
	_ =	sdelay $0x4  }
0x92: {  	v2 =	vadd.f32 v3, v2;
	_ =	sdelay $0x1  }
0x93: {  	v3 =	vmul.f32 $2.000000030e-01, v2  }
0x94: {  	vm12 =	vge.f32 v2, $0.0e+00  }
0x95: {  	v2 =	vsel vm12, v2, v3  }
0x96: {  	v2 =	vmul.f32 $1.442695020e+00, v2;
	_ =	sdelay $0x1  }
0x97: {  	(erf) = vpow2.f32 v2;
	v2 =	vld [tilespmem:$0x4ED0];
	_ =	sdelay $0x4  }
0x98: {  	v4 =	vld [tilespmem:$0x4F50];
	v3 =	vsub.s32 v2, v0  }
0x99: {  	v2 =	vand.u32 $0x7, v2;
	v3 =	vand.u32 $0xFFFFFFF8, v3  }
0x9a: {  	v2 =	vor.u32 v2, v3  }
0x9b: {  	s4 =	sor.u32 $0x40, s30  }
0x9c: {  	p3 =	slt.u32 s4, $0x50910;
	v3 =	vpop (erf)  }
0x9d: {  	v3 =	vpsel !p3, $0x0, v3  }
0x9e: {  	[tilespmem:$0x4FC0] =	vst v3  }
0x9f: {  	v2 =	vld.idx.msk [tilespmem:v2+s28+$0x0], $0xffff  }
0xa0: {  	v3 =	vld.idx.msk [tilespmem:v4+s19+$0x0], $0xffff;
	_ =	sdelay $0x4  }
0xa1: {  	v2 =	vadd.f32 v3, v2;
	_ =	sdelay $0x1  }
0xa2: {  	v3 =	vmul.f32 $2.000000030e-01, v2  }
0xa3: {  	vm13 =	vge.f32 v2, $0.0e+00  }
0xa4: {  	v2 =	vsel vm13, v2, v3  }
0xa5: {  	v2 =	vmul.f32 $1.442695020e+00, v2;
	_ =	sdelay $0x1  }
0xa6: {  	(erf) = vpow2.f32 v2;
	v2 =	vld [tilespmem:$0x4EE0];
	_ =	sdelay $0x4  }
0xa7: {  	v4 =	vld [tilespmem:$0x4F60];
	v3 =	vsub.s32 v2, v0  }
0xa8: {  	v2 =	vand.u32 $0x7, v2;
	v3 =	vand.u32 $0xFFFFFFF8, v3  }
0xa9: {  	v2 =	vor.u32 v2, v3  }
0xaa: {  	s4 =	sor.u32 $0x50, s30  }
0xab: {  	p4 =	slt.u32 s4, $0x50910;
	v3 =	vpop (erf)  }
0xac: {  	v3 =	vpsel !p4, $0x0, v3  }
0xad: {  	[tilespmem:$0x4FD0] =	vst v3  }
0xae: {  	v2 =	vld.idx.msk [tilespmem:v2+s28+$0x0], $0xffff  }
0xaf: {  	v3 =	vld.idx.msk [tilespmem:v4+s19+$0x0], $0xffff;
	_ =	sdelay $0x4  }
0xb0: {  	v2 =	vadd.f32 v3, v2;
	_ =	sdelay $0x1  }
0xb1: {  	v3 =	vmul.f32 $2.000000030e-01, v2  }
0xb2: {  	vm14 =	vge.f32 v2, $0.0e+00  }
0xb3: {  	v2 =	vsel vm14, v2, v3  }
0xb4: {  	v2 =	vmul.f32 $1.442695020e+00, v2;
	_ =	sdelay $0x1  }
0xb5: {  	(erf) = vpow2.f32 v2;
	v2 =	vld [tilespmem:$0x4EF0];
	_ =	sdelay $0x4  }
0xb6: {  	v4 =	vld [tilespmem:$0x4F70];
	v3 =	vsub.s32 v2, v0  }
0xb7: {  	v2 =	vand.u32 $0x7, v2;
	v3 =	vand.u32 $0xFFFFFFF8, v3  }
0xb8: {  	v2 =	vor.u32 v2, v3  }
0xb9: {  	s4 =	sor.u32 $0x60, s30  }
0xba: {  	p5 =	slt.u32 s4, $0x50910;
	v3 =	vpop (erf)  }
0xbb: {  	v3 =	vpsel !p5, $0x0, v3  }
0xbc: {  	[tilespmem:$0x4FE0] =	vst v3  }
0xbd: {  	v2 =	vld.idx.msk [tilespmem:v2+s28+$0x0], $0xffff  }
0xbe: {  	v3 =	vld.idx.msk [tilespmem:v4+s19+$0x0], $0xffff;
	_ =	sdelay $0x4  }
0xbf: {  	v2 =	vadd.f32 v3, v2;
	_ =	sdelay $0x1  }
0xc0: {  	v3 =	vmul.f32 $2.000000030e-01, v2  }
0xc1: {  	vm15 =	vge.f32 v2, $0.0e+00  }
0xc2: {  	v2 =	vsel vm15, v2, v3  }
0xc3: {  	v2 =	vmul.f32 $1.442695020e+00, v2;
	_ =	sdelay $0x1  }
0xc4: {  	(erf) = vpow2.f32 v2;
	_ =	sdelay $0x7  }
0xc5: {  	s4 =	sor.u32 $0x70, s30  }
0xc6: {  	p6 =	slt.u32 s4, $0x50910;
	v2 =	vpop (erf)  }
0xc7: {  	v3 =	vmov s28;
	v2 =	vpsel !p6, $0x0, v2  }
0xc8: {  	s30 =	simm.s32 $0x5040;
	[tilespmem:$0x4FF0] =	vst v2  }
0xc9: {  	v7 =	vld [tilespmem:s30+$0xFFFFFFC0]  }
0xca: {  	v10 =	vld [tilespmem:s30+$0x30]  }
0xcb: {  	v8 =	vld [tilespmem:s30+$0x40]  }
0xcc: {  	v3 =	vld.idx.msk [tilespmem:v3+s25+$0x0], $0xffff  }
0xcd: {  	v12 =	vld [tilespmem:s30+$0xFFFFFFE0]  }
0xce: {  	v2 =	vld [tilespmem:s30+$0xFFFFFFF0]  }
0xcf: {  	v4 =	vld [tilespmem:s30+$0x20]  }
0xd0: {  	v5 =	vld [tilespmem:s30+$0xFFFFFFD0]  }
0xd1: {  	v6 =	vld [tilespmem:s30+$0x10]  }
0xd2: {  	v11 =	vmul.f32 v7, v3;
	v9 =	vmul.f32 v8, v3;
	v7 =	vld [tilespmem:s30+$0x0]  }
0xd3: {  	s31 =	simm.s32 $0x1;
	s0 =	simm.s32 $0x5040;
	v8 =	vmul.f32 v12, v3;
	v10 =	vmul.f32 v10, v3  }
.LBB2_5:
0xd4: {  	p0 =	sne.s32 s31, $0x7F  }
0xd5: {  	[tilespmem:s30+$0xFFFFFFC0] =	vst v11;
	v5 =	vmul.f32 v5, v3;
	v4 =	vmul.f32 v4, v3;
	s0 =	sadd.s32 $0x90, s0;
	s4 =	smov.u32 s31;
	s31 =	sadd.s32 $0x1, s31  }
0xd6: {  	v11 =	vmul.f32 v2, v3;
	v2 =	vmul.f32 v6, v3;
	[tilespmem:s30+$0x40] =	vst v9  }
0xd7: {  	v3 =	vmul.f32 v7, v3;
	[tilespmem:s30+$0x30] =	vst v10  }
0xd8: {  	[tilespmem:s30+$0xFFFFFFE0] =	vst v8  }
0xd9: {  	v6 =	vmov s4;
	[tilespmem:s30+$0x10] =	vst v2  }
0xda: {  	v2 =	vld [tilespmem:s0+$0xFFFFFFF0];
	[tilespmem:s30+$0x0] =	vst v3  }
0xdb: {  	v8 =	vld [tilespmem:s0+$0xFFFFFFC0];
	[tilespmem:s30+$0xFFFFFFF0] =	vst v11  }
0xdc: {  	v10 =	vld [tilespmem:s0+$0x30];
	[tilespmem:s30+$0x20] =	vst v4  }
0xdd: {  	v9 =	vld [tilespmem:s0+$0x40];
	[tilespmem:s30+$0xFFFFFFD0] =	vst v5;
	s30 =	smov.u32 s0  }
0xde: {  	v3 =	vld.idx.msk [tilespmem:v6+s25+$0x0], $0xffff  }
0xdf: {  	v12 =	vld [tilespmem:s0+$0xFFFFFFE0]  }
0xe0: {  	v4 =	vld [tilespmem:s0+$0x20]  }
.Ltmp1:
0xe1: {  	v5 =	vld [tilespmem:s0+$0xFFFFFFD0];
	(pc) =	sbr.rel @p0 .LBB2_5-.Ltmp1, $4  }
0xe2: {  	v6 =	vld [tilespmem:s0+$0x10]  }
0xe3: {  	v7 =	vld [tilespmem:s0+$0x0]  }
0xe4: {  	v11 =	vmul.f32 v8, v3;
	v9 =	vmul.f32 v9, v3  }
0xe5: {  	v10 =	vmul.f32 v10, v3;
	v8 =	vmul.f32 v12, v3  }
0xe6: {  	[tilespmem:s30+$0xFFFFFFC0] =	vst v11  }
0xe7: {  	[tilespmem:s30+$0x40] =	vst v9  }
0xe8: {  	v2 =	vmul.f32 v2, v3;
	[tilespmem:s30+$0x30] =	vst v10  }
0xe9: {  	v4 =	vmul.f32 v4, v3;
	[tilespmem:s30+$0xFFFFFFE0] =	vst v8  }
0xea: {  	v6 =	vmul.f32 v6, v3;
	[tilespmem:s30+$0xFFFFFFF0] =	vst v2  }
0xeb: {  	v7 =	vmul.f32 v7, v3;
	[tilespmem:s30+$0x20] =	vst v4  }
0xec: {  	s29 =	sadd.s32 $0x1, s29;
	v3 =	vmul.f32 v5, v3;
	[tilespmem:s30+$0x10] =	vst v6  }
0xed: {  	p0 =	sne.s32 s29, $0xA2;
	[tilespmem:s30+$0x0] =	vst v7  }
.Ltmp2:
0xee: {  	[tilespmem:s30+$0xFFFFFFD0] =	vst v3;
	(pc) =	sbr.rel @p0 .LBB2_4-.Ltmp2, $4  }
0xef: {  	[spmem:s2] =	stream.indirect.scatter.add.f32 [tilespmem:s20], [sflag:$0x2], $0x90, s22, s23, $0xb8;
	[tilespmem:$0x1F940] =	vst v63  }
0xf0: {  	_ =	swait.ge [sflag:s18], $0x4800  }
0xf1: {  	[sflag:s18] =	ssyncset.done $0x0  }
0xf2: {  	[sflag:s18] =	ssyncadd.s32 $0xFFFFB800  }
0xf3: {  	s0 =	stileid.u32;
	s26 =	sadd.s32 $0x1, s26  }
0xf4: {  	[bflag:$0x0] =	sbarrier.arrive $0xFFFF;
	s0 =	sshll.u32 s0, $0x6;
	p0 =	sne.s32 s26, s17  }
.Ltmp3:
0xf5: {  	s4 =	sshrl.u32 s8, $0x3;
	s0 =	sor.u32 $0x1C02, s0;
	(pc) =	sbr.rel @p0 .LBB2_1-.Ltmp3, $4  }
0xf6: {  	[hbm:s16], [sflag:s0] =	dma.local [spmem:s4], $0x2C28  }
0xf7: {  	_ =	swait.ge [sflag:s18], $0x2C28  }
0xf8: {  	[sflag:s18] =	ssyncset.done $0x0  }
0xf9: {  	[sflag:s18] =	ssyncadd.s32 $0xFFFFD3D8  }
0xfa: {  	_ =	sfence.sel $0x180000  }
0xfb: {  	[bflag:$0x0] =	sbarrier.arrive $0xFFFF  }
0xfc: {  	_ =	strace $0x90000047  }
0xfd: {  	s0 =	stileid.u32;
	[bflag:$0x2] =	sbarrier.arrive $0xFFFF  }
0xfe: {  	p0 =	sne.s32 s0, $0x0;
	s0 =	rddreg [dreg:$0x3]  }
0xff: {  	s0 =	sadd.s32 @!p0 $0x100000, s0  }
0x100: {  	[sflag:s0] =	ssyncadd.tile.s32 @!p0 $0x1;
	_ =	shalt  }
.Lfunc_end2:
_tile_overlayer_lowered:
.L_overlay_start_2:
0x101: {  	(tag) =	ssettag $0x2  }
0x102: {  	s0 =	rddreg [dreg:$0x0];
	s2 =	stileid.u32  }
0x103: {  	s1 =	rddreg [dreg:$0x1];
	p0 =	sne.s32 s2, $0x0  }
0x104: {  	s3 =	rddreg [dreg:$0x2];
	[bflag:$0x3] =	sbarrier.arrive $0xFFFF;
	s2 =	simm.s32 @!p0 $0x1C02  }
0x105: {  	[timem:s3], [sflag:s2] =	dma.local @!p0 [hbm:s0], s1  }
0x106: {  	s0 =	simm.s32 @!p0 $0x2  }
0x107: {  	_ =	swait.ge @!p0 [sflag:s0], s1  }
0x108: {  	s1 =	ssub.s32 @!p0 $0x0, s1;
	[sflag:s0] =	ssyncset.done @!p0 $0x0  }
0x109: {  	[sflag:s0] =	ssyncadd.s32 @!p0 s1  }
0x10a: {  	[bflag:$0x3] =	sbarrier.arrive $0xFFFF  }
0x10b: {  	_ =	shalt  }

</sc_bundles>
